<compile_context>
chip_gen: v7x
topology: tpu7x:2x2x1
jax: 0.10.2.dev20260603
libtpu: 0.0.44.dev20260713+nightly
codegen_flags: <defaults>
</compile_context>

<pallas_src>
import functools

import jax
import jax.numpy as jnp
from jax import lax
from jax.experimental import pallas as pl
from jax.experimental.pallas import tpu as pltpu
from jax.experimental.pallas import tpu_sc as plsc

N = 10000
D = 128
HD = D // 2
N_EDGES = 320000

ACC_DT = jnp.float32

NC = 2
NS = 16
NW = NC * NS

NPAD = 10240
RPT = NPAD // NS

A_CHUNK = 128
A_CHUNKS = -(-N_EDGES // (NW * A_CHUNK))
A_EPAD = NW * A_CHUNKS * A_CHUNK
DEG_W = 8

C_CHUNK = 128
C_CHUNKS = -(-N_EDGES // (NS * C_CHUNK))
C_EPAD = NS * C_CHUNKS * C_CHUNK


def _sc_mesh():
    return plsc.VectorSubcoreMesh(
        core_axis_name="c", subcore_axis_name="s", num_cores=NC, num_subcores=NS
    )


def _deg_body(dst_hbm, ones_hbm, zeros_hbm, deg_hbm, dst_v, ones_v, zeros_v, deg_sh,
              *sems):
    c = lax.axis_index("c")
    s = lax.axis_index("s")
    gid = c * NS + s
    pltpu.sync_copy(dst_hbm.at[gid], dst_v)
    pltpu.sync_copy(ones_hbm, ones_v)
    pltpu.sync_copy(zeros_hbm, zeros_v)
    pltpu.sync_copy(zeros_v, deg_sh.at[pl.ds(s * RPT, RPT)])
    plsc.subcore_barrier()

    def scat(jj, k):
        return pltpu.make_async_copy(ones_v, deg_sh.at[dst_v.at[jj]], sems[k])

    @pl.loop(0, A_CHUNKS, step=NB)
    def _chunk(j):
        for k in range(NB):
            jj = j + k

            @pl.when(jj < A_CHUNKS)
            def _():
                @pl.when(jj >= NB)
                def _():
                    scat(jj - NB, k).wait()

                pltpu.async_copy(ones_v, deg_sh.at[dst_v.at[jj]], sems[k], add=True)

    for jj in range(max(A_CHUNKS - NB, 0), A_CHUNKS):
        scat(jj, jj % NB).wait()

    plsc.subcore_barrier()
    pltpu.sync_copy(
        deg_sh.at[pl.ds(s * RPT, RPT)],
        deg_hbm.at[c, pl.ds(s * RPT, RPT)],
    )


@functools.cache
def _deg_kernel():
    return pl.kernel(
        _deg_body,
        out_type=jax.ShapeDtypeStruct((NC, NPAD, DEG_W), jnp.float32),
        mesh=_sc_mesh(),
        compiler_params=pltpu.CompilerParams(use_tc_tiling_on_sc=False),
        scratch_types=[
            pltpu.VMEM((A_CHUNKS, A_CHUNK), jnp.int32),
            pltpu.VMEM((A_CHUNK, DEG_W), jnp.float32),
            pltpu.VMEM((RPT, DEG_W), jnp.float32),
            pltpu.VMEM_SHARED((NPAD, DEG_W), jnp.float32),
        ] + [pltpu.SemaphoreType.DMA] * NB,
    )


_BM = 512


def _matmul_body(x_ref, w_ref, deg_ref, h2_ref, dinv_ref):
    d = deg_ref[0, :, 0:1] + deg_ref[1, :, 0:1] + 1.0
    di = lax.rsqrt(d)
    h = jnp.dot(x_ref[...], w_ref[0], preferred_element_type=jnp.float32)
    h2_ref[0] = (h * di).astype(ACC_DT)
    dinv_ref[...] = di


def _matmul(x_pad, w, deg):
    return pl.pallas_call(
        _matmul_body,
        grid=(NPAD // _BM, NC),
        in_specs=[
            pl.BlockSpec((_BM, D), lambda i, s: (i, 0)),
            pl.BlockSpec((1, D, HD), lambda i, s: (s, 0, 0)),
            pl.BlockSpec((NC, _BM, DEG_W), lambda i, s: (0, i, 0)),
        ],
        out_specs=[
            pl.BlockSpec((1, _BM, HD), lambda i, s: (s, i, 0)),
            pl.BlockSpec((_BM, 1), lambda i, s: (i, 0)),
        ],
        out_shape=[
            jax.ShapeDtypeStruct((NC, NPAD, HD), ACC_DT),
            jax.ShapeDtypeStruct((NPAD, 1), jnp.float32),
        ],
    )(x_pad, w, deg)


NB = 6
CNB = 4
CL = 3


def _scatter_body(h2s_hbm, ei_hbm, acc_hbm, idx_v, rows_v, acc_sh, *sems):
    gsems = sems[:CNB]
    ssems = sems[CNB:]
    c = lax.axis_index("c")
    s = lax.axis_index("s")
    base = s * RPT
    pltpu.sync_copy(h2s_hbm.at[c, pl.ds(base, RPT)], acc_sh.at[pl.ds(base, RPT)])
    pltpu.sync_copy(ei_hbm.at[s], idx_v)
    plsc.subcore_barrier()

    def gather(jj, k):
        return pltpu.make_async_copy(
            h2s_hbm.at[c].at[idx_v.at[jj, 0]], rows_v.at[k], gsems[k]
        )

    def scatter_wait(jj, k):
        return pltpu.make_async_copy(rows_v.at[k], acc_sh.at[idx_v.at[jj, 1]], ssems[k])

    for k in range(CL):
        gather(k, k).start()

    @pl.loop(0, C_CHUNKS, step=CNB)
    def _chunk(j):
        for k in range(CNB):
            jj = j + k

            @pl.when(jj < C_CHUNKS)
            def _():
                gather(jj, k).wait()
                pltpu.async_copy(
                    rows_v.at[k], acc_sh.at[idx_v.at[jj, 1]], ssems[k], add=True
                )

                @pl.when(jj + CL < C_CHUNKS)
                def _():
                    kp = (k + CL) % CNB
                    @pl.when(jj + CL >= CNB)
                    def _():
                        scatter_wait(jj + CL - CNB, kp).wait()

                    gather(jj + CL, kp).start()

    for jj in range(max(C_CHUNKS - CNB, 0), C_CHUNKS):
        scatter_wait(jj, jj % CNB).wait()

    plsc.subcore_barrier()
    pltpu.sync_copy(acc_sh.at[pl.ds(base, RPT)], acc_hbm.at[c, pl.ds(base, RPT)])


@functools.cache
def _scatter_kernel():
    return pl.kernel(
        _scatter_body,
        out_type=jax.ShapeDtypeStruct((NC, NPAD, HD), ACC_DT),
        mesh=_sc_mesh(),
        compiler_params=pltpu.CompilerParams(use_tc_tiling_on_sc=False),
        scratch_types=[
            pltpu.VMEM((C_CHUNKS, 2, C_CHUNK), jnp.int32),
            pltpu.VMEM((CNB, C_CHUNK, HD), ACC_DT),
            pltpu.VMEM_SHARED((NPAD, HD), ACC_DT),
        ] + [pltpu.SemaphoreType.DMA] * (2 * CNB),
    )


_BN = 400


def _final_body(acc_ref, dinv_ref, b_ref, out_ref):
    acc = jnp.concatenate([acc_ref[0], acc_ref[1]], axis=1).astype(jnp.float32)
    out_ref[...] = acc * dinv_ref[...] + b_ref[...]


def _final(acc, dinv, b2):
    return pl.pallas_call(
        _final_body,
        grid=(N // _BN,),
        in_specs=[
            pl.BlockSpec((NC, _BN, HD), lambda i: (0, i, 0)),
            pl.BlockSpec((_BN, 1), lambda i: (i, 0)),
            pl.BlockSpec((1, D), lambda i: (0, 0)),
        ],
        out_specs=pl.BlockSpec((_BN, D), lambda i: (i, 0)),
        out_shape=jax.ShapeDtypeStruct((N, D), jnp.float32),
    )(acc, dinv, b2)


def kernel(x, edge_index, W, b):
    src = edge_index[0].astype(jnp.int32)
    dst = edge_index[1].astype(jnp.int32)

    a_pad = A_EPAD - N_EDGES
    dst_a = jnp.concatenate([dst, jnp.full((a_pad,), N, jnp.int32)])
    dst_a = dst_a.reshape(NW, A_CHUNKS, A_CHUNK)

    ones_rows = jnp.ones((A_CHUNK, DEG_W), jnp.float32)
    zero_rows = jnp.zeros((RPT, DEG_W), jnp.float32)
    deg = _deg_kernel()(dst_a, ones_rows, zero_rows)

    x_pad = jnp.pad(x, ((0, NPAD - N), (0, 0)))
    w_split = jnp.stack([W[:, :HD], W[:, HD:]], axis=0)
    h2s, dinv = _matmul(x_pad, w_split, deg)

    c_pad = C_EPAD - N_EDGES
    src_c = jnp.concatenate([src, jnp.zeros((c_pad,), jnp.int32)])
    dst_c = jnp.concatenate([dst, jnp.full((c_pad,), N, jnp.int32)])
    ei_c = jnp.stack(
        [src_c.reshape(NS, C_CHUNKS, C_CHUNK), dst_c.reshape(NS, C_CHUNKS, C_CHUNK)],
        axis=2,
    )
    acc = _scatter_kernel()(h2s, ei_c)

    return _final(acc, dinv, b.reshape(1, D))

# --- scband reference (transcript-rebuilt; emitter-appended) ---
"""Pipeline reference for scband-encoder2-37117107372138 (READ-ONLY COPY).

The authoritative reference and input builder live on the scoring server;
editing this copy changes nothing except your own understanding.
"""

import jax, jax.numpy as jnp
import numpy as np

N_NODES = 10000
IN_CHANNELS = 128
LATENT_SIZE = 128
N_EDGES = 320000


def setup_inputs(seed: int = 0) -> dict:
    key = jax.random.key(seed)
    k1, k2, k3, k4 = jax.random.split(key, 4)
    x = jax.random.normal(k1, (N_NODES, IN_CHANNELS), dtype=jnp.float32)
    edge_index = jax.random.randint(k2, (2, N_EDGES), 0, N_NODES, dtype=jnp.int64)
    # GCNConv learned params (glorot-style weight, zero bias like PyG defaults)
    limit = float(np.sqrt(6.0 / (IN_CHANNELS + LATENT_SIZE)))
    W = jax.random.uniform(k3, (IN_CHANNELS, LATENT_SIZE), minval=-limit, maxval=limit, dtype=jnp.float32)
    b = jnp.zeros((LATENT_SIZE,), dtype=jnp.float32)
    return {"x": x, "edge_index": edge_index, "W": W, "b": b}


def reference(x, edge_index, W, b):
    # Encoder2.forward with y_edge_index=None: z_mu = GCNConv(x, edge_index)
    # GCNConv: add self-loops, symmetric normalization D^{-1/2} (A+I) D^{-1/2},
    # out = A_hat @ (x W) + b
    N = x.shape[0]
    src = edge_index[0]
    dst = edge_index[1]
    loop = jnp.arange(N, dtype=src.dtype)
    src = jnp.concatenate([src, loop])
    dst = jnp.concatenate([dst, loop])
    # degree computed on destination nodes (col) with unit edge weights
    deg = jnp.zeros((N,), dtype=x.dtype).at[dst].add(1.0)
    deg_inv_sqrt = jnp.where(deg > 0, 1.0 / jnp.sqrt(deg), 0.0)
    norm = deg_inv_sqrt[src] * deg_inv_sqrt[dst]
    h = x @ W
    msgs = h[src] * norm[:, None]
    out = jnp.zeros((N, W.shape[1]), dtype=x.dtype).at[dst].add(msgs)
    return out + b

if __name__ == "__main__":
    import jax
    _d = setup_inputs()
    print(jax.jit(kernel)(*tuple(_d.values())))

</pallas_src>

<mosaic_0001>
#map = affine_map<(d0, d1) -> (0, 0, 0)>
#map1 = affine_map<(d0, d1) -> (0, 0)>
module attributes {stable_mosaic.version = 14 : i64} {
  func.func @_deg_body(%arg0: i32, %arg1: i32, %arg2: memref<32x79x128xi32, #tpu.memory_space<hbm>>, %arg3: memref<128x8xf32, #tpu.memory_space<hbm>>, %arg4: memref<640x8xf32, #tpu.memory_space<hbm>>, %arg5: memref<2x10240x8xf32, #tpu.memory_space<hbm>>, %arg6: memref<79x128xi32, #tpu.memory_space<vmem>>, %arg7: memref<128x8xf32, #tpu.memory_space<vmem>>, %arg8: memref<640x8xf32, #tpu.memory_space<vmem>>, %arg9: memref<10240x8xf32, #tpu.memory_space<vmem_shared>>, %arg10: memref<!tpu.dma_semaphore, #tpu.memory_space<semaphore_mem>>, %arg11: memref<!tpu.dma_semaphore, #tpu.memory_space<semaphore_mem>>, %arg12: memref<!tpu.dma_semaphore, #tpu.memory_space<semaphore_mem>>, %arg13: memref<!tpu.dma_semaphore, #tpu.memory_space<semaphore_mem>>, %arg14: memref<!tpu.dma_semaphore, #tpu.memory_space<semaphore_mem>>, %arg15: memref<!tpu.dma_semaphore, #tpu.memory_space<semaphore_mem>>) attributes {dimension_semantics = [#tpu.dimension_semantics<core_parallel>, #tpu.dimension_semantics<subcore_parallel>], iteration_bounds = array<i64: 2, 16>, scalar_prefetch = 0 : i64, scratch_operands = 10 : i64, tpu.core_type = #tpu.core_type<sc_vector_subcore>, window_params = [{transform_indices = #map}, {transform_indices = #map1}, {transform_indices = #map1}, {transform_indices = #map}]} {
    %mul3A = arith.constant 16 : i32
    %mul3A_0 = arith.muli %arg0, %mul3A : i32
    %add3A = arith.addi %mul3A_0, %arg1 : i32
    "tpu.region"() ({
      %run_scoped3A = tpu.sem_alloc : memref<!tpu.dma_semaphore, #tpu.memory_space<semaphore_mem>>
      %dma_start3A = arith.constant 0 : i32
      %dma_start3A_53 = arith.constant 0 : i32
      %dma_start3A_54 = tpu.memref_slice %arg2[%add3A, %dma_start3A, %dma_start3A_53] : memref<32x79x128xi32, #tpu.memory_space<hbm>> -> memref<1x79x128xi32, #tpu.memory_space<hbm>>
      %dma_start3A_55 = tpu.memref_squeeze %dma_start3A_54 : memref<1x79x128xi32, #tpu.memory_space<hbm>> -> memref<79x128xi32, #tpu.memory_space<hbm>>
      %dma_start3A_56 = arith.constant 0 : i32
      %dma_start3A_57 = arith.constant 0 : i32
      %dma_start3A_58 = tpu.memref_slice %arg2[%add3A, %dma_start3A_56, %dma_start3A_57] : memref<32x79x128xi32, #tpu.memory_space<hbm>> -> memref<1x79x128xi32, #tpu.memory_space<hbm>>
      %dma_start3A_59 = tpu.memref_squeeze %dma_start3A_58 : memref<1x79x128xi32, #tpu.memory_space<hbm>> -> memref<79x128xi32, #tpu.memory_space<hbm>>
      tpu.enqueue_dma source(%dma_start3A_59 : memref<79x128xi32, #tpu.memory_space<hbm>>) target(%arg6 : memref<79x128xi32, #tpu.memory_space<vmem>>) target_semaphore(%run_scoped3A : memref<!tpu.dma_semaphore, #tpu.memory_space<semaphore_mem>>)
      %dma_wait3A_60 = arith.constant 0 : i32
      %dma_wait3A_61 = arith.constant 0 : i32
      %dma_wait3A_62 = tpu.memref_slice %arg2[%add3A, %dma_wait3A_60, %dma_wait3A_61] : memref<32x79x128xi32, #tpu.memory_space<hbm>> -> memref<1x79x128xi32, #tpu.memory_space<hbm>>
      %dma_wait3A_63 = tpu.memref_squeeze %dma_wait3A_62 : memref<1x79x128xi32, #tpu.memory_space<hbm>> -> memref<79x128xi32, #tpu.memory_space<hbm>>
      %dma_wait3A_64 = arith.constant 0 : i32
      %dma_wait3A_65 = arith.constant 0 : i32
      %dma_wait3A_66 = tpu.memref_slice %arg2[%add3A, %dma_wait3A_64, %dma_wait3A_65] : memref<32x79x128xi32, #tpu.memory_space<hbm>> -> memref<1x79x128xi32, #tpu.memory_space<hbm>>
      %dma_wait3A_67 = tpu.memref_squeeze %dma_wait3A_66 : memref<1x79x128xi32, #tpu.memory_space<hbm>> -> memref<79x128xi32, #tpu.memory_space<hbm>>
      tpu.wait_dma2 semaphore(%run_scoped3A : memref<!tpu.dma_semaphore, #tpu.memory_space<semaphore_mem>>) src(%dma_wait3A_67 : memref<79x128xi32, #tpu.memory_space<hbm>>) dst(%arg6 : memref<79x128xi32, #tpu.memory_space<vmem>>)
      tpu.yield
    }) : () -> ()
    "tpu.region"() ({
      %run_scoped3A = tpu.sem_alloc : memref<!tpu.dma_semaphore, #tpu.memory_space<semaphore_mem>>
      tpu.enqueue_dma source(%arg3 : memref<128x8xf32, #tpu.memory_space<hbm>>) target(%arg7 : memref<128x8xf32, #tpu.memory_space<vmem>>) target_semaphore(%run_scoped3A : memref<!tpu.dma_semaphore, #tpu.memory_space<semaphore_mem>>)
      tpu.wait_dma2 semaphore(%run_scoped3A : memref<!tpu.dma_semaphore, #tpu.memory_space<semaphore_mem>>) src(%arg3 : memref<128x8xf32, #tpu.memory_space<hbm>>) dst(%arg7 : memref<128x8xf32, #tpu.memory_space<vmem>>)
      tpu.yield
    }) : () -> ()
    "tpu.region"() ({
      %run_scoped3A = tpu.sem_alloc : memref<!tpu.dma_semaphore, #tpu.memory_space<semaphore_mem>>
      tpu.enqueue_dma source(%arg4 : memref<640x8xf32, #tpu.memory_space<hbm>>) target(%arg8 : memref<640x8xf32, #tpu.memory_space<vmem>>) target_semaphore(%run_scoped3A : memref<!tpu.dma_semaphore, #tpu.memory_space<semaphore_mem>>)
      tpu.wait_dma2 semaphore(%run_scoped3A : memref<!tpu.dma_semaphore, #tpu.memory_space<semaphore_mem>>) src(%arg4 : memref<640x8xf32, #tpu.memory_space<hbm>>) dst(%arg8 : memref<640x8xf32, #tpu.memory_space<vmem>>)
      tpu.yield
    }) : () -> ()
    %mul3A_1 = arith.constant 640 : i32
    %mul3A_2 = arith.muli %arg1, %mul3A_1 : i32
    "tpu.region"() ({
      %run_scoped3A = tpu.sem_alloc : memref<!tpu.dma_semaphore, #tpu.memory_space<semaphore_mem>>
      %dma_start3A = arith.constant 0 : i32
      %dma_start3A_53 = tpu.memref_slice %arg9[%mul3A_2, %dma_start3A] : memref<10240x8xf32, #tpu.memory_space<vmem_shared>> -> memref<640x8xf32, #tpu.memory_space<vmem_shared>>
      %dma_start3A_54 = arith.constant 0 : i32
      %dma_start3A_55 = tpu.memref_slice %arg9[%mul3A_2, %dma_start3A_54] : memref<10240x8xf32, #tpu.memory_space<vmem_shared>> -> memref<640x8xf32, #tpu.memory_space<vmem_shared>>
      tpu.enqueue_dma source(%arg8 : memref<640x8xf32, #tpu.memory_space<vmem>>) target(%dma_start3A_55 : memref<640x8xf32, #tpu.memory_space<vmem_shared>>) target_semaphore(%run_scoped3A : memref<!tpu.dma_semaphore, #tpu.memory_space<semaphore_mem>>)
      %dma_wait3A_56 = arith.constant 0 : i32
      %dma_wait3A_57 = tpu.memref_slice %arg9[%mul3A_2, %dma_wait3A_56] : memref<10240x8xf32, #tpu.memory_space<vmem_shared>> -> memref<640x8xf32, #tpu.memory_space<vmem_shared>>
      %dma_wait3A_58 = arith.constant 0 : i32
      %dma_wait3A_59 = tpu.memref_slice %arg9[%mul3A_2, %dma_wait3A_58] : memref<10240x8xf32, #tpu.memory_space<vmem_shared>> -> memref<640x8xf32, #tpu.memory_space<vmem_shared>>
      tpu.wait_dma2 semaphore(%run_scoped3A : memref<!tpu.dma_semaphore, #tpu.memory_space<semaphore_mem>>) src(%arg8 : memref<640x8xf32, #tpu.memory_space<vmem>>) dst(%dma_wait3A_59 : memref<640x8xf32, #tpu.memory_space<vmem_shared>>)
      tpu.yield
    }) : () -> ()
    %barrier3A = arith.constant 0 : index
    tpu.barrier barrier_id(%barrier3A)
    %scan3A = arith.constant 0 : i32
    %scan3A_3 = arith.constant 14 : i32
    %scan3A_4 = arith.addi %scan3A, %scan3A_3 : i32
    %scan3A_5 = arith.constant 1 : i32
    scf.for %scan3A_53 = %scan3A to %scan3A_4 step %scan3A_5  : i32 {
      %mul3A_54 = arith.constant 6 : i32
      %mul3A_55 = arith.muli %scan3A_53, %mul3A_54 : i32
      %add3A_56 = arith.constant 0 : i32
      %add3A_57 = arith.addi %add3A_56, %mul3A_55 : i32
      %add3A_58 = arith.constant 0 : i32
      %add3A_59 = arith.addi %add3A_57, %add3A_58 : i32
      %lt3A = arith.constant 79 : i32
      %lt3A_60 = arith.cmpi slt, %add3A_59, %lt3A : i32
      %convert_element_type3A = arith.extui %lt3A_60 : i1 to i32
      %cond3A = arith.constant 0 : i32
      %cond3A_61 = arith.cmpi ne, %convert_element_type3A, %cond3A : i32
      scf.if %cond3A_61 {
        %ge3A = arith.constant 6 : i32
        %ge3A_97 = arith.cmpi sge, %add3A_59, %ge3A : i32
        %convert_element_type3A_98 = arith.extui %ge3A_97 : i1 to i32
        %cond3A_99 = arith.constant 0 : i32
        %cond3A_100 = arith.cmpi ne, %convert_element_type3A_98, %cond3A_99 : i32
        scf.if %cond3A_100 {
          %sub3A = arith.constant 6 : i32
          %sub3A_106 = arith.subi %add3A_59, %sub3A : i32
          %dma_wait3A_107 = arith.constant 0 : i32
          %dma_wait3A_108 = tpu.memref_slice %arg6[%sub3A_106, %dma_wait3A_107] : memref<79x128xi32, #tpu.memory_space<vmem>> -> memref<1x128xi32, #tpu.memory_space<vmem>>
          %dma_wait3A_109 = tpu.memref_squeeze %dma_wait3A_108 : memref<1x128xi32, #tpu.memory_space<vmem>> -> memref<128xi32, #tpu.memory_space<vmem>>
          %dma_wait3A_110 = arith.constant 0 : i32
          %dma_wait3A_111 = arith.constant 0 : i32
          %dma_wait3A_112 = tpu.memref_slice %arg9[%dma_wait3A_110, %dma_wait3A_111] : memref<10240x8xf32, #tpu.memory_space<vmem_shared>> -> memref<10240x8xf32, #tpu.memory_space<vmem_shared>>
          tpu.wait_indirect_dma semaphore(%arg10 : memref<!tpu.dma_semaphore, #tpu.memory_space<semaphore_mem>>) src(%arg7 : memref<128x8xf32, #tpu.memory_space<vmem>>) dst(%dma_wait3A_112 : memref<10240x8xf32, #tpu.memory_space<vmem_shared>>)
        } else {
        }
        %dma_start3A = arith.constant 0 : i32
        %dma_start3A_101 = tpu.memref_slice %arg6[%add3A_59, %dma_start3A] : memref<79x128xi32, #tpu.memory_space<vmem>> -> memref<1x128xi32, #tpu.memory_space<vmem>>
        %dma_start3A_102 = tpu.memref_squeeze %dma_start3A_101 : memref<1x128xi32, #tpu.memory_space<vmem>> -> memref<128xi32, #tpu.memory_space<vmem>>
        %dma_start3A_103 = arith.constant 0 : i32
        %dma_start3A_104 = arith.constant 0 : i32
        %dma_start3A_105 = tpu.memref_slice %arg9[%dma_start3A_103, %dma_start3A_104] : memref<10240x8xf32, #tpu.memory_space<vmem_shared>> -> memref<10240x8xf32, #tpu.memory_space<vmem_shared>>
        tpu.enqueue_indirect_dma source(%arg7 : memref<128x8xf32, #tpu.memory_space<vmem>>) target(%dma_start3A_105 : memref<10240x8xf32, #tpu.memory_space<vmem_shared>>) offsets(%dma_start3A_102 : memref<128xi32, #tpu.memory_space<vmem>>) semaphore(%arg10 : memref<!tpu.dma_semaphore, #tpu.memory_space<semaphore_mem>>) {add = true}
      } else {
      }
      %add3A_62 = arith.constant 1 : i32
      %add3A_63 = arith.addi %add3A_57, %add3A_62 : i32
      %lt3A_64 = arith.constant 79 : i32
      %lt3A_65 = arith.cmpi slt, %add3A_63, %lt3A_64 : i32
      %convert_element_type3A_66 = arith.extui %lt3A_65 : i1 to i32
      %cond3A_67 = arith.constant 0 : i32
      %cond3A_68 = arith.cmpi ne, %convert_element_type3A_66, %cond3A_67 : i32
      scf.if %cond3A_68 {
        %ge3A = arith.constant 6 : i32
        %ge3A_97 = arith.cmpi sge, %add3A_63, %ge3A : i32
        %convert_element_type3A_98 = arith.extui %ge3A_97 : i1 to i32
        %cond3A_99 = arith.constant 0 : i32
        %cond3A_100 = arith.cmpi ne, %convert_element_type3A_98, %cond3A_99 : i32
        scf.if %cond3A_100 {
          %sub3A = arith.constant 6 : i32
          %sub3A_106 = arith.subi %add3A_63, %sub3A : i32
          %dma_wait3A_107 = arith.constant 0 : i32
          %dma_wait3A_108 = tpu.memref_slice %arg6[%sub3A_106, %dma_wait3A_107] : memref<79x128xi32, #tpu.memory_space<vmem>> -> memref<1x128xi32, #tpu.memory_space<vmem>>
          %dma_wait3A_109 = tpu.memref_squeeze %dma_wait3A_108 : memref<1x128xi32, #tpu.memory_space<vmem>> -> memref<128xi32, #tpu.memory_space<vmem>>
          %dma_wait3A_110 = arith.constant 0 : i32
          %dma_wait3A_111 = arith.constant 0 : i32
          %dma_wait3A_112 = tpu.memref_slice %arg9[%dma_wait3A_110, %dma_wait3A_111] : memref<10240x8xf32, #tpu.memory_space<vmem_shared>> -> memref<10240x8xf32, #tpu.memory_space<vmem_shared>>
          tpu.wait_indirect_dma semaphore(%arg11 : memref<!tpu.dma_semaphore, #tpu.memory_space<semaphore_mem>>) src(%arg7 : memref<128x8xf32, #tpu.memory_space<vmem>>) dst(%dma_wait3A_112 : memref<10240x8xf32, #tpu.memory_space<vmem_shared>>)
        } else {
        }
        %dma_start3A = arith.constant 0 : i32
        %dma_start3A_101 = tpu.memref_slice %arg6[%add3A_63, %dma_start3A] : memref<79x128xi32, #tpu.memory_space<vmem>> -> memref<1x128xi32, #tpu.memory_space<vmem>>
        %dma_start3A_102 = tpu.memref_squeeze %dma_start3A_101 : memref<1x128xi32, #tpu.memory_space<vmem>> -> memref<128xi32, #tpu.memory_space<vmem>>
        %dma_start3A_103 = arith.constant 0 : i32
        %dma_start3A_104 = arith.constant 0 : i32
        %dma_start3A_105 = tpu.memref_slice %arg9[%dma_start3A_103, %dma_start3A_104] : memref<10240x8xf32, #tpu.memory_space<vmem_shared>> -> memref<10240x8xf32, #tpu.memory_space<vmem_shared>>
        tpu.enqueue_indirect_dma source(%arg7 : memref<128x8xf32, #tpu.memory_space<vmem>>) target(%dma_start3A_105 : memref<10240x8xf32, #tpu.memory_space<vmem_shared>>) offsets(%dma_start3A_102 : memref<128xi32, #tpu.memory_space<vmem>>) semaphore(%arg11 : memref<!tpu.dma_semaphore, #tpu.memory_space<semaphore_mem>>) {add = true}
      } else {
      }
      %add3A_69 = arith.constant 2 : i32
      %add3A_70 = arith.addi %add3A_57, %add3A_69 : i32
      %lt3A_71 = arith.constant 79 : i32
      %lt3A_72 = arith.cmpi slt, %add3A_70, %lt3A_71 : i32
      %convert_element_type3A_73 = arith.extui %lt3A_72 : i1 to i32
      %cond3A_74 = arith.constant 0 : i32
      %cond3A_75 = arith.cmpi ne, %convert_element_type3A_73, %cond3A_74 : i32
      scf.if %cond3A_75 {
        %ge3A = arith.constant 6 : i32
        %ge3A_97 = arith.cmpi sge, %add3A_70, %ge3A : i32
        %convert_element_type3A_98 = arith.extui %ge3A_97 : i1 to i32
        %cond3A_99 = arith.constant 0 : i32
        %cond3A_100 = arith.cmpi ne, %convert_element_type3A_98, %cond3A_99 : i32
        scf.if %cond3A_100 {
          %sub3A = arith.constant 6 : i32
          %sub3A_106 = arith.subi %add3A_70, %sub3A : i32
          %dma_wait3A_107 = arith.constant 0 : i32
          %dma_wait3A_108 = tpu.memref_slice %arg6[%sub3A_106, %dma_wait3A_107] : memref<79x128xi32, #tpu.memory_space<vmem>> -> memref<1x128xi32, #tpu.memory_space<vmem>>
          %dma_wait3A_109 = tpu.memref_squeeze %dma_wait3A_108 : memref<1x128xi32, #tpu.memory_space<vmem>> -> memref<128xi32, #tpu.memory_space<vmem>>
          %dma_wait3A_110 = arith.constant 0 : i32
          %dma_wait3A_111 = arith.constant 0 : i32
          %dma_wait3A_112 = tpu.memref_slice %arg9[%dma_wait3A_110, %dma_wait3A_111] : memref<10240x8xf32, #tpu.memory_space<vmem_shared>> -> memref<10240x8xf32, #tpu.memory_space<vmem_shared>>
          tpu.wait_indirect_dma semaphore(%arg12 : memref<!tpu.dma_semaphore, #tpu.memory_space<semaphore_mem>>) src(%arg7 : memref<128x8xf32, #tpu.memory_space<vmem>>) dst(%dma_wait3A_112 : memref<10240x8xf32, #tpu.memory_space<vmem_shared>>)
        } else {
        }
        %dma_start3A = arith.constant 0 : i32
        %dma_start3A_101 = tpu.memref_slice %arg6[%add3A_70, %dma_start3A] : memref<79x128xi32, #tpu.memory_space<vmem>> -> memref<1x128xi32, #tpu.memory_space<vmem>>
        %dma_start3A_102 = tpu.memref_squeeze %dma_start3A_101 : memref<1x128xi32, #tpu.memory_space<vmem>> -> memref<128xi32, #tpu.memory_space<vmem>>
        %dma_start3A_103 = arith.constant 0 : i32
        %dma_start3A_104 = arith.constant 0 : i32
        %dma_start3A_105 = tpu.memref_slice %arg9[%dma_start3A_103, %dma_start3A_104] : memref<10240x8xf32, #tpu.memory_space<vmem_shared>> -> memref<10240x8xf32, #tpu.memory_space<vmem_shared>>
        tpu.enqueue_indirect_dma source(%arg7 : memref<128x8xf32, #tpu.memory_space<vmem>>) target(%dma_start3A_105 : memref<10240x8xf32, #tpu.memory_space<vmem_shared>>) offsets(%dma_start3A_102 : memref<128xi32, #tpu.memory_space<vmem>>) semaphore(%arg12 : memref<!tpu.dma_semaphore, #tpu.memory_space<semaphore_mem>>) {add = true}
      } else {
      }
      %add3A_76 = arith.constant 3 : i32
      %add3A_77 = arith.addi %add3A_57, %add3A_76 : i32
      %lt3A_78 = arith.constant 79 : i32
      %lt3A_79 = arith.cmpi slt, %add3A_77, %lt3A_78 : i32
      %convert_element_type3A_80 = arith.extui %lt3A_79 : i1 to i32
      %cond3A_81 = arith.constant 0 : i32
      %cond3A_82 = arith.cmpi ne, %convert_element_type3A_80, %cond3A_81 : i32
      scf.if %cond3A_82 {
        %ge3A = arith.constant 6 : i32
        %ge3A_97 = arith.cmpi sge, %add3A_77, %ge3A : i32
        %convert_element_type3A_98 = arith.extui %ge3A_97 : i1 to i32
        %cond3A_99 = arith.constant 0 : i32
        %cond3A_100 = arith.cmpi ne, %convert_element_type3A_98, %cond3A_99 : i32
        scf.if %cond3A_100 {
          %sub3A = arith.constant 6 : i32
          %sub3A_106 = arith.subi %add3A_77, %sub3A : i32
          %dma_wait3A_107 = arith.constant 0 : i32
          %dma_wait3A_108 = tpu.memref_slice %arg6[%sub3A_106, %dma_wait3A_107] : memref<79x128xi32, #tpu.memory_space<vmem>> -> memref<1x128xi32, #tpu.memory_space<vmem>>
          %dma_wait3A_109 = tpu.memref_squeeze %dma_wait3A_108 : memref<1x128xi32, #tpu.memory_space<vmem>> -> memref<128xi32, #tpu.memory_space<vmem>>
          %dma_wait3A_110 = arith.constant 0 : i32
          %dma_wait3A_111 = arith.constant 0 : i32
          %dma_wait3A_112 = tpu.memref_slice %arg9[%dma_wait3A_110, %dma_wait3A_111] : memref<10240x8xf32, #tpu.memory_space<vmem_shared>> -> memref<10240x8xf32, #tpu.memory_space<vmem_shared>>
          tpu.wait_indirect_dma semaphore(%arg13 : memref<!tpu.dma_semaphore, #tpu.memory_space<semaphore_mem>>) src(%arg7 : memref<128x8xf32, #tpu.memory_space<vmem>>) dst(%dma_wait3A_112 : memref<10240x8xf32, #tpu.memory_space<vmem_shared>>)
        } else {
        }
        %dma_start3A = arith.constant 0 : i32
        %dma_start3A_101 = tpu.memref_slice %arg6[%add3A_77, %dma_start3A] : memref<79x128xi32, #tpu.memory_space<vmem>> -> memref<1x128xi32, #tpu.memory_space<vmem>>
        %dma_start3A_102 = tpu.memref_squeeze %dma_start3A_101 : memref<1x128xi32, #tpu.memory_space<vmem>> -> memref<128xi32, #tpu.memory_space<vmem>>
        %dma_start3A_103 = arith.constant 0 : i32
        %dma_start3A_104 = arith.constant 0 : i32
        %dma_start3A_105 = tpu.memref_slice %arg9[%dma_start3A_103, %dma_start3A_104] : memref<10240x8xf32, #tpu.memory_space<vmem_shared>> -> memref<10240x8xf32, #tpu.memory_space<vmem_shared>>
        tpu.enqueue_indirect_dma source(%arg7 : memref<128x8xf32, #tpu.memory_space<vmem>>) target(%dma_start3A_105 : memref<10240x8xf32, #tpu.memory_space<vmem_shared>>) offsets(%dma_start3A_102 : memref<128xi32, #tpu.memory_space<vmem>>) semaphore(%arg13 : memref<!tpu.dma_semaphore, #tpu.memory_space<semaphore_mem>>) {add = true}
      } else {
      }
      %add3A_83 = arith.constant 4 : i32
      %add3A_84 = arith.addi %add3A_57, %add3A_83 : i32
      %lt3A_85 = arith.constant 79 : i32
      %lt3A_86 = arith.cmpi slt, %add3A_84, %lt3A_85 : i32
      %convert_element_type3A_87 = arith.extui %lt3A_86 : i1 to i32
      %cond3A_88 = arith.constant 0 : i32
      %cond3A_89 = arith.cmpi ne, %convert_element_type3A_87, %cond3A_88 : i32
      scf.if %cond3A_89 {
        %ge3A = arith.constant 6 : i32
        %ge3A_97 = arith.cmpi sge, %add3A_84, %ge3A : i32
        %convert_element_type3A_98 = arith.extui %ge3A_97 : i1 to i32
        %cond3A_99 = arith.constant 0 : i32
        %cond3A_100 = arith.cmpi ne, %convert_element_type3A_98, %cond3A_99 : i32
        scf.if %cond3A_100 {
          %sub3A = arith.constant 6 : i32
          %sub3A_106 = arith.subi %add3A_84, %sub3A : i32
          %dma_wait3A_107 = arith.constant 0 : i32
          %dma_wait3A_108 = tpu.memref_slice %arg6[%sub3A_106, %dma_wait3A_107] : memref<79x128xi32, #tpu.memory_space<vmem>> -> memref<1x128xi32, #tpu.memory_space<vmem>>
          %dma_wait3A_109 = tpu.memref_squeeze %dma_wait3A_108 : memref<1x128xi32, #tpu.memory_space<vmem>> -> memref<128xi32, #tpu.memory_space<vmem>>
          %dma_wait3A_110 = arith.constant 0 : i32
          %dma_wait3A_111 = arith.constant 0 : i32
          %dma_wait3A_112 = tpu.memref_slice %arg9[%dma_wait3A_110, %dma_wait3A_111] : memref<10240x8xf32, #tpu.memory_space<vmem_shared>> -> memref<10240x8xf32, #tpu.memory_space<vmem_shared>>
          tpu.wait_indirect_dma semaphore(%arg14 : memref<!tpu.dma_semaphore, #tpu.memory_space<semaphore_mem>>) src(%arg7 : memref<128x8xf32, #tpu.memory_space<vmem>>) dst(%dma_wait3A_112 : memref<10240x8xf32, #tpu.memory_space<vmem_shared>>)
        } else {
        }
        %dma_start3A = arith.constant 0 : i32
        %dma_start3A_101 = tpu.memref_slice %arg6[%add3A_84, %dma_start3A] : memref<79x128xi32, #tpu.memory_space<vmem>> -> memref<1x128xi32, #tpu.memory_space<vmem>>
        %dma_start3A_102 = tpu.memref_squeeze %dma_start3A_101 : memref<1x128xi32, #tpu.memory_space<vmem>> -> memref<128xi32, #tpu.memory_space<vmem>>
        %dma_start3A_103 = arith.constant 0 : i32
        %dma_start3A_104 = arith.constant 0 : i32
        %dma_start3A_105 = tpu.memref_slice %arg9[%dma_start3A_103, %dma_start3A_104] : memref<10240x8xf32, #tpu.memory_space<vmem_shared>> -> memref<10240x8xf32, #tpu.memory_space<vmem_shared>>
        tpu.enqueue_indirect_dma source(%arg7 : memref<128x8xf32, #tpu.memory_space<vmem>>) target(%dma_start3A_105 : memref<10240x8xf32, #tpu.memory_space<vmem_shared>>) offsets(%dma_start3A_102 : memref<128xi32, #tpu.memory_space<vmem>>) semaphore(%arg14 : memref<!tpu.dma_semaphore, #tpu.memory_space<semaphore_mem>>) {add = true}
      } else {
      }
      %add3A_90 = arith.constant 5 : i32
      %add3A_91 = arith.addi %add3A_57, %add3A_90 : i32
      %lt3A_92 = arith.constant 79 : i32
      %lt3A_93 = arith.cmpi slt, %add3A_91, %lt3A_92 : i32
      %convert_element_type3A_94 = arith.extui %lt3A_93 : i1 to i32
      %cond3A_95 = arith.constant 0 : i32
      %cond3A_96 = arith.cmpi ne, %convert_element_type3A_94, %cond3A_95 : i32
      scf.if %cond3A_96 {
        %ge3A = arith.constant 6 : i32
        %ge3A_97 = arith.cmpi sge, %add3A_91, %ge3A : i32
        %convert_element_type3A_98 = arith.extui %ge3A_97 : i1 to i32
        %cond3A_99 = arith.constant 0 : i32
        %cond3A_100 = arith.cmpi ne, %convert_element_type3A_98, %cond3A_99 : i32
        scf.if %cond3A_100 {
          %sub3A = arith.constant 6 : i32
          %sub3A_106 = arith.subi %add3A_91, %sub3A : i32
          %dma_wait3A_107 = arith.constant 0 : i32
          %dma_wait3A_108 = tpu.memref_slice %arg6[%sub3A_106, %dma_wait3A_107] : memref<79x128xi32, #tpu.memory_space<vmem>> -> memref<1x128xi32, #tpu.memory_space<vmem>>
          %dma_wait3A_109 = tpu.memref_squeeze %dma_wait3A_108 : memref<1x128xi32, #tpu.memory_space<vmem>> -> memref<128xi32, #tpu.memory_space<vmem>>
          %dma_wait3A_110 = arith.constant 0 : i32
          %dma_wait3A_111 = arith.constant 0 : i32
          %dma_wait3A_112 = tpu.memref_slice %arg9[%dma_wait3A_110, %dma_wait3A_111] : memref<10240x8xf32, #tpu.memory_space<vmem_shared>> -> memref<10240x8xf32, #tpu.memory_space<vmem_shared>>
          tpu.wait_indirect_dma semaphore(%arg15 : memref<!tpu.dma_semaphore, #tpu.memory_space<semaphore_mem>>) src(%arg7 : memref<128x8xf32, #tpu.memory_space<vmem>>) dst(%dma_wait3A_112 : memref<10240x8xf32, #tpu.memory_space<vmem_shared>>)
        } else {
        }
        %dma_start3A = arith.constant 0 : i32
        %dma_start3A_101 = tpu.memref_slice %arg6[%add3A_91, %dma_start3A] : memref<79x128xi32, #tpu.memory_space<vmem>> -> memref<1x128xi32, #tpu.memory_space<vmem>>
        %dma_start3A_102 = tpu.memref_squeeze %dma_start3A_101 : memref<1x128xi32, #tpu.memory_space<vmem>> -> memref<128xi32, #tpu.memory_space<vmem>>
        %dma_start3A_103 = arith.constant 0 : i32
        %dma_start3A_104 = arith.constant 0 : i32
        %dma_start3A_105 = tpu.memref_slice %arg9[%dma_start3A_103, %dma_start3A_104] : memref<10240x8xf32, #tpu.memory_space<vmem_shared>> -> memref<10240x8xf32, #tpu.memory_space<vmem_shared>>
        tpu.enqueue_indirect_dma source(%arg7 : memref<128x8xf32, #tpu.memory_space<vmem>>) target(%dma_start3A_105 : memref<10240x8xf32, #tpu.memory_space<vmem_shared>>) offsets(%dma_start3A_102 : memref<128xi32, #tpu.memory_space<vmem>>) semaphore(%arg15 : memref<!tpu.dma_semaphore, #tpu.memory_space<semaphore_mem>>) {add = true}
      } else {
      }
    }
    %scan3A_6 = arith.constant 14 : i32
    %dma_wait3A = arith.constant 73 : i32
    %dma_wait3A_7 = arith.constant 0 : i32
    %dma_wait3A_8 = tpu.memref_slice %arg6[%dma_wait3A, %dma_wait3A_7] : memref<79x128xi32, #tpu.memory_space<vmem>> -> memref<1x128xi32, #tpu.memory_space<vmem>>
    %dma_wait3A_9 = tpu.memref_squeeze %dma_wait3A_8 : memref<1x128xi32, #tpu.memory_space<vmem>> -> memref<128xi32, #tpu.memory_space<vmem>>
    %dma_wait3A_10 = arith.constant 0 : i32
    %dma_wait3A_11 = arith.constant 0 : i32
    %dma_wait3A_12 = tpu.memref_slice %arg9[%dma_wait3A_10, %dma_wait3A_11] : memref<10240x8xf32, #tpu.memory_space<vmem_shared>> -> memref<10240x8xf32, #tpu.memory_space<vmem_shared>>
    tpu.wait_indirect_dma semaphore(%arg11 : memref<!tpu.dma_semaphore, #tpu.memory_space<semaphore_mem>>) src(%arg7 : memref<128x8xf32, #tpu.memory_space<vmem>>) dst(%dma_wait3A_12 : memref<10240x8xf32, #tpu.memory_space<vmem_shared>>)
    %dma_wait3A_13 = arith.constant 74 : i32
    %dma_wait3A_14 = arith.constant 0 : i32
    %dma_wait3A_15 = tpu.memref_slice %arg6[%dma_wait3A_13, %dma_wait3A_14] : memref<79x128xi32, #tpu.memory_space<vmem>> -> memref<1x128xi32, #tpu.memory_space<vmem>>
    %dma_wait3A_16 = tpu.memref_squeeze %dma_wait3A_15 : memref<1x128xi32, #tpu.memory_space<vmem>> -> memref<128xi32, #tpu.memory_space<vmem>>
    %dma_wait3A_17 = arith.constant 0 : i32
    %dma_wait3A_18 = arith.constant 0 : i32
    %dma_wait3A_19 = tpu.memref_slice %arg9[%dma_wait3A_17, %dma_wait3A_18] : memref<10240x8xf32, #tpu.memory_space<vmem_shared>> -> memref<10240x8xf32, #tpu.memory_space<vmem_shared>>
    tpu.wait_indirect_dma semaphore(%arg12 : memref<!tpu.dma_semaphore, #tpu.memory_space<semaphore_mem>>) src(%arg7 : memref<128x8xf32, #tpu.memory_space<vmem>>) dst(%dma_wait3A_19 : memref<10240x8xf32, #tpu.memory_space<vmem_shared>>)
    %dma_wait3A_20 = arith.constant 75 : i32
    %dma_wait3A_21 = arith.constant 0 : i32
    %dma_wait3A_22 = tpu.memref_slice %arg6[%dma_wait3A_20, %dma_wait3A_21] : memref<79x128xi32, #tpu.memory_space<vmem>> -> memref<1x128xi32, #tpu.memory_space<vmem>>
    %dma_wait3A_23 = tpu.memref_squeeze %dma_wait3A_22 : memref<1x128xi32, #tpu.memory_space<vmem>> -> memref<128xi32, #tpu.memory_space<vmem>>
    %dma_wait3A_24 = arith.constant 0 : i32
    %dma_wait3A_25 = arith.constant 0 : i32
    %dma_wait3A_26 = tpu.memref_slice %arg9[%dma_wait3A_24, %dma_wait3A_25] : memref<10240x8xf32, #tpu.memory_space<vmem_shared>> -> memref<10240x8xf32, #tpu.memory_space<vmem_shared>>
    tpu.wait_indirect_dma semaphore(%arg13 : memref<!tpu.dma_semaphore, #tpu.memory_space<semaphore_mem>>) src(%arg7 : memref<128x8xf32, #tpu.memory_space<vmem>>) dst(%dma_wait3A_26 : memref<10240x8xf32, #tpu.memory_space<vmem_shared>>)
    %dma_wait3A_27 = arith.constant 76 : i32
    %dma_wait3A_28 = arith.constant 0 : i32
    %dma_wait3A_29 = tpu.memref_slice %arg6[%dma_wait3A_27, %dma_wait3A_28] : memref<79x128xi32, #tpu.memory_space<vmem>> -> memref<1x128xi32, #tpu.memory_space<vmem>>
    %dma_wait3A_30 = tpu.memref_squeeze %dma_wait3A_29 : memref<1x128xi32, #tpu.memory_space<vmem>> -> memref<128xi32, #tpu.memory_space<vmem>>
    %dma_wait3A_31 = arith.constant 0 : i32
    %dma_wait3A_32 = arith.constant 0 : i32
    %dma_wait3A_33 = tpu.memref_slice %arg9[%dma_wait3A_31, %dma_wait3A_32] : memref<10240x8xf32, #tpu.memory_space<vmem_shared>> -> memref<10240x8xf32, #tpu.memory_space<vmem_shared>>
    tpu.wait_indirect_dma semaphore(%arg14 : memref<!tpu.dma_semaphore, #tpu.memory_space<semaphore_mem>>) src(%arg7 : memref<128x8xf32, #tpu.memory_space<vmem>>) dst(%dma_wait3A_33 : memref<10240x8xf32, #tpu.memory_space<vmem_shared>>)
    %dma_wait3A_34 = arith.constant 77 : i32
    %dma_wait3A_35 = arith.constant 0 : i32
    %dma_wait3A_36 = tpu.memref_slice %arg6[%dma_wait3A_34, %dma_wait3A_35] : memref<79x128xi32, #tpu.memory_space<vmem>> -> memref<1x128xi32, #tpu.memory_space<vmem>>
    %dma_wait3A_37 = tpu.memref_squeeze %dma_wait3A_36 : memref<1x128xi32, #tpu.memory_space<vmem>> -> memref<128xi32, #tpu.memory_space<vmem>>
    %dma_wait3A_38 = arith.constant 0 : i32
    %dma_wait3A_39 = arith.constant 0 : i32
    %dma_wait3A_40 = tpu.memref_slice %arg9[%dma_wait3A_38, %dma_wait3A_39] : memref<10240x8xf32, #tpu.memory_space<vmem_shared>> -> memref<10240x8xf32, #tpu.memory_space<vmem_shared>>
    tpu.wait_indirect_dma semaphore(%arg15 : memref<!tpu.dma_semaphore, #tpu.memory_space<semaphore_mem>>) src(%arg7 : memref<128x8xf32, #tpu.memory_space<vmem>>) dst(%dma_wait3A_40 : memref<10240x8xf32, #tpu.memory_space<vmem_shared>>)
    %dma_wait3A_41 = arith.constant 78 : i32
    %dma_wait3A_42 = arith.constant 0 : i32
    %dma_wait3A_43 = tpu.memref_slice %arg6[%dma_wait3A_41, %dma_wait3A_42] : memref<79x128xi32, #tpu.memory_space<vmem>> -> memref<1x128xi32, #tpu.memory_space<vmem>>
    %dma_wait3A_44 = tpu.memref_squeeze %dma_wait3A_43 : memref<1x128xi32, #tpu.memory_space<vmem>> -> memref<128xi32, #tpu.memory_space<vmem>>
    %dma_wait3A_45 = arith.constant 0 : i32
    %dma_wait3A_46 = arith.constant 0 : i32
    %dma_wait3A_47 = tpu.memref_slice %arg9[%dma_wait3A_45, %dma_wait3A_46] : memref<10240x8xf32, #tpu.memory_space<vmem_shared>> -> memref<10240x8xf32, #tpu.memory_space<vmem_shared>>
    tpu.wait_indirect_dma semaphore(%arg10 : memref<!tpu.dma_semaphore, #tpu.memory_space<semaphore_mem>>) src(%arg7 : memref<128x8xf32, #tpu.memory_space<vmem>>) dst(%dma_wait3A_47 : memref<10240x8xf32, #tpu.memory_space<vmem_shared>>)
    %barrier3A_48 = arith.constant 0 : index
    tpu.barrier barrier_id(%barrier3A_48)
    %mul3A_49 = arith.constant 640 : i32
    %mul3A_50 = arith.muli %arg1, %mul3A_49 : i32
    %mul3A_51 = arith.constant 640 : i32
    %mul3A_52 = arith.muli %arg1, %mul3A_51 : i32
    "tpu.region"() ({
      %run_scoped3A = tpu.sem_alloc : memref<!tpu.dma_semaphore, #tpu.memory_space<semaphore_mem>>
      %dma_start3A = arith.constant 0 : i32
      %dma_start3A_53 = tpu.memref_slice %arg5[%arg0, %mul3A_52, %dma_start3A] : memref<2x10240x8xf32, #tpu.memory_space<hbm>> -> memref<1x640x8xf32, #tpu.memory_space<hbm>>
      %dma_start3A_54 = tpu.memref_squeeze %dma_start3A_53 : memref<1x640x8xf32, #tpu.memory_space<hbm>> -> memref<640x8xf32, #tpu.memory_space<hbm>>
      %dma_start3A_55 = arith.constant 0 : i32
      %dma_start3A_56 = tpu.memref_slice %arg9[%mul3A_50, %dma_start3A_55] : memref<10240x8xf32, #tpu.memory_space<vmem_shared>> -> memref<640x8xf32, #tpu.memory_space<vmem_shared>>
      tpu.enqueue_dma source(%dma_start3A_56 : memref<640x8xf32, #tpu.memory_space<vmem_shared>>) target(%dma_start3A_54 : memref<640x8xf32, #tpu.memory_space<hbm>>) target_semaphore(%run_scoped3A : memref<!tpu.dma_semaphore, #tpu.memory_space<semaphore_mem>>)
      %dma_wait3A_57 = arith.constant 0 : i32
      %dma_wait3A_58 = tpu.memref_slice %arg5[%arg0, %mul3A_52, %dma_wait3A_57] : memref<2x10240x8xf32, #tpu.memory_space<hbm>> -> memref<1x640x8xf32, #tpu.memory_space<hbm>>
      %dma_wait3A_59 = tpu.memref_squeeze %dma_wait3A_58 : memref<1x640x8xf32, #tpu.memory_space<hbm>> -> memref<640x8xf32, #tpu.memory_space<hbm>>
      %dma_wait3A_60 = arith.constant 0 : i32
      %dma_wait3A_61 = tpu.memref_slice %arg9[%mul3A_50, %dma_wait3A_60] : memref<10240x8xf32, #tpu.memory_space<vmem_shared>> -> memref<640x8xf32, #tpu.memory_space<vmem_shared>>
      tpu.wait_dma2 semaphore(%run_scoped3A : memref<!tpu.dma_semaphore, #tpu.memory_space<semaphore_mem>>) src(%dma_wait3A_61 : memref<640x8xf32, #tpu.memory_space<vmem_shared>>) dst(%dma_wait3A_59 : memref<640x8xf32, #tpu.memory_space<hbm>>)
      tpu.yield
    }) : () -> ()
    return
  }
}

#map = affine_map<(d0, d1) -> (0, 0, 0)>
#map1 = affine_map<(d0, d1) -> (0, 0, 0, 0)>
module attributes {stable_mosaic.version = 14 : i64} {
  func.func @_scatter_body(%arg0: i32, %arg1: i32, %arg2: memref<2x10240x64xf32, #tpu.memory_space<hbm>>, %arg3: memref<16x157x2x128xi32, #tpu.memory_space<hbm>>, %arg4: memref<2x10240x64xf32, #tpu.memory_space<hbm>>, %arg5: memref<157x2x128xi32, #tpu.memory_space<vmem>>, %arg6: memref<4x128x64xf32, #tpu.memory_space<vmem>>, %arg7: memref<10240x64xf32, #tpu.memory_space<vmem_shared>>, %arg8: memref<!tpu.dma_semaphore, #tpu.memory_space<semaphore_mem>>, %arg9: memref<!tpu.dma_semaphore, #tpu.memory_space<semaphore_mem>>, %arg10: memref<!tpu.dma_semaphore, #tpu.memory_space<semaphore_mem>>, %arg11: memref<!tpu.dma_semaphore, #tpu.memory_space<semaphore_mem>>, %arg12: memref<!tpu.dma_semaphore, #tpu.memory_space<semaphore_mem>>, %arg13: memref<!tpu.dma_semaphore, #tpu.memory_space<semaphore_mem>>, %arg14: memref<!tpu.dma_semaphore, #tpu.memory_space<semaphore_mem>>, %arg15: memref<!tpu.dma_semaphore, #tpu.memory_space<semaphore_mem>>) attributes {dimension_semantics = [#tpu.dimension_semantics<core_parallel>, #tpu.dimension_semantics<subcore_parallel>], iteration_bounds = array<i64: 2, 16>, scalar_prefetch = 0 : i64, scratch_operands = 11 : i64, tpu.core_type = #tpu.core_type<sc_vector_subcore>, window_params = [{transform_indices = #map}, {transform_indices = #map1}, {transform_indices = #map}]} {
    %mul3A = arith.constant 640 : i32
    %mul3A_0 = arith.muli %arg1, %mul3A : i32
    "tpu.region"() ({
      %run_scoped3A = tpu.sem_alloc : memref<!tpu.dma_semaphore, #tpu.memory_space<semaphore_mem>>
      %dma_start3A_107 = arith.constant 0 : i32
      %dma_start3A_108 = tpu.memref_slice %arg7[%mul3A_0, %dma_start3A_107] : memref<10240x64xf32, #tpu.memory_space<vmem_shared>> -> memref<640x64xf32, #tpu.memory_space<vmem_shared>>
      %dma_start3A_109 = arith.constant 0 : i32
      %dma_start3A_110 = tpu.memref_slice %arg2[%arg0, %mul3A_0, %dma_start3A_109] : memref<2x10240x64xf32, #tpu.memory_space<hbm>> -> memref<1x640x64xf32, #tpu.memory_space<hbm>>
      %dma_start3A_111 = tpu.memref_squeeze %dma_start3A_110 : memref<1x640x64xf32, #tpu.memory_space<hbm>> -> memref<640x64xf32, #tpu.memory_space<hbm>>
      tpu.enqueue_dma source(%dma_start3A_111 : memref<640x64xf32, #tpu.memory_space<hbm>>) target(%dma_start3A_108 : memref<640x64xf32, #tpu.memory_space<vmem_shared>>) target_semaphore(%run_scoped3A : memref<!tpu.dma_semaphore, #tpu.memory_space<semaphore_mem>>)
      %dma_wait3A_112 = arith.constant 0 : i32
      %dma_wait3A_113 = tpu.memref_slice %arg7[%mul3A_0, %dma_wait3A_112] : memref<10240x64xf32, #tpu.memory_space<vmem_shared>> -> memref<640x64xf32, #tpu.memory_space<vmem_shared>>
      %dma_wait3A_114 = arith.constant 0 : i32
      %dma_wait3A_115 = tpu.memref_slice %arg2[%arg0, %mul3A_0, %dma_wait3A_114] : memref<2x10240x64xf32, #tpu.memory_space<hbm>> -> memref<1x640x64xf32, #tpu.memory_space<hbm>>
      %dma_wait3A_116 = tpu.memref_squeeze %dma_wait3A_115 : memref<1x640x64xf32, #tpu.memory_space<hbm>> -> memref<640x64xf32, #tpu.memory_space<hbm>>
      tpu.wait_dma2 semaphore(%run_scoped3A : memref<!tpu.dma_semaphore, #tpu.memory_space<semaphore_mem>>) src(%dma_wait3A_116 : memref<640x64xf32, #tpu.memory_space<hbm>>) dst(%dma_wait3A_113 : memref<640x64xf32, #tpu.memory_space<vmem_shared>>)
      tpu.yield
    }) : () -> ()
    "tpu.region"() ({
      %run_scoped3A = tpu.sem_alloc : memref<!tpu.dma_semaphore, #tpu.memory_space<semaphore_mem>>
      %dma_start3A_107 = arith.constant 0 : i32
      %dma_start3A_108 = arith.constant 0 : i32
      %dma_start3A_109 = arith.constant 0 : i32
      %dma_start3A_110 = tpu.memref_slice %arg3[%arg1, %dma_start3A_107, %dma_start3A_108, %dma_start3A_109] : memref<16x157x2x128xi32, #tpu.memory_space<hbm>> -> memref<1x157x2x128xi32, #tpu.memory_space<hbm>>
      %dma_start3A_111 = tpu.memref_squeeze %dma_start3A_110 : memref<1x157x2x128xi32, #tpu.memory_space<hbm>> -> memref<157x2x128xi32, #tpu.memory_space<hbm>>
      %dma_start3A_112 = arith.constant 0 : i32
      %dma_start3A_113 = arith.constant 0 : i32
      %dma_start3A_114 = arith.constant 0 : i32
      %dma_start3A_115 = tpu.memref_slice %arg3[%arg1, %dma_start3A_112, %dma_start3A_113, %dma_start3A_114] : memref<16x157x2x128xi32, #tpu.memory_space<hbm>> -> memref<1x157x2x128xi32, #tpu.memory_space<hbm>>
      %dma_start3A_116 = tpu.memref_squeeze %dma_start3A_115 : memref<1x157x2x128xi32, #tpu.memory_space<hbm>> -> memref<157x2x128xi32, #tpu.memory_space<hbm>>
      tpu.enqueue_dma source(%dma_start3A_116 : memref<157x2x128xi32, #tpu.memory_space<hbm>>) target(%arg5 : memref<157x2x128xi32, #tpu.memory_space<vmem>>) target_semaphore(%run_scoped3A : memref<!tpu.dma_semaphore, #tpu.memory_space<semaphore_mem>>)
      %dma_wait3A_117 = arith.constant 0 : i32
      %dma_wait3A_118 = arith.constant 0 : i32
      %dma_wait3A_119 = arith.constant 0 : i32
      %dma_wait3A_120 = tpu.memref_slice %arg3[%arg1, %dma_wait3A_117, %dma_wait3A_118, %dma_wait3A_119] : memref<16x157x2x128xi32, #tpu.memory_space<hbm>> -> memref<1x157x2x128xi32, #tpu.memory_space<hbm>>
      %dma_wait3A_121 = tpu.memref_squeeze %dma_wait3A_120 : memref<1x157x2x128xi32, #tpu.memory_space<hbm>> -> memref<157x2x128xi32, #tpu.memory_space<hbm>>
      %dma_wait3A_122 = arith.constant 0 : i32
      %dma_wait3A_123 = arith.constant 0 : i32
      %dma_wait3A_124 = arith.constant 0 : i32
      %dma_wait3A_125 = tpu.memref_slice %arg3[%arg1, %dma_wait3A_122, %dma_wait3A_123, %dma_wait3A_124] : memref<16x157x2x128xi32, #tpu.memory_space<hbm>> -> memref<1x157x2x128xi32, #tpu.memory_space<hbm>>
      %dma_wait3A_126 = tpu.memref_squeeze %dma_wait3A_125 : memref<1x157x2x128xi32, #tpu.memory_space<hbm>> -> memref<157x2x128xi32, #tpu.memory_space<hbm>>
      tpu.wait_dma2 semaphore(%run_scoped3A : memref<!tpu.dma_semaphore, #tpu.memory_space<semaphore_mem>>) src(%dma_wait3A_126 : memref<157x2x128xi32, #tpu.memory_space<hbm>>) dst(%arg5 : memref<157x2x128xi32, #tpu.memory_space<vmem>>)
      tpu.yield
    }) : () -> ()
    %barrier3A = arith.constant 0 : index
    tpu.barrier barrier_id(%barrier3A)
    %dma_start3A = arith.constant 0 : i32
    %dma_start3A_1 = arith.constant 0 : i32
    %dma_start3A_2 = arith.constant 0 : i32
    %dma_start3A_3 = arith.constant 0 : i32
    %dma_start3A_4 = arith.constant 0 : i32
    %dma_start3A_5 = tpu.memref_slice %arg6[%dma_start3A_2, %dma_start3A_3, %dma_start3A_4] : memref<4x128x64xf32, #tpu.memory_space<vmem>> -> memref<1x128x64xf32, #tpu.memory_space<vmem>>
    %dma_start3A_6 = tpu.memref_squeeze %dma_start3A_5 : memref<1x128x64xf32, #tpu.memory_space<vmem>> -> memref<128x64xf32, #tpu.memory_space<vmem>>
    %dma_start3A_7 = arith.constant 0 : i32
    %dma_start3A_8 = tpu.memref_slice %arg5[%dma_start3A, %dma_start3A_1, %dma_start3A_7] : memref<157x2x128xi32, #tpu.memory_space<vmem>> -> memref<1x1x128xi32, #tpu.memory_space<vmem>>
    %dma_start3A_9 = tpu.memref_squeeze %dma_start3A_8 : memref<1x1x128xi32, #tpu.memory_space<vmem>> -> memref<128xi32, #tpu.memory_space<vmem>>
    %dma_start3A_10 = arith.constant 0 : i32
    %dma_start3A_11 = arith.constant 0 : i32
    %dma_start3A_12 = tpu.memref_slice %arg2[%arg0, %dma_start3A_10, %dma_start3A_11] : memref<2x10240x64xf32, #tpu.memory_space<hbm>> -> memref<1x10240x64xf32, #tpu.memory_space<hbm>>
    %dma_start3A_13 = tpu.memref_squeeze %dma_start3A_12 : memref<1x10240x64xf32, #tpu.memory_space<hbm>> -> memref<10240x64xf32, #tpu.memory_space<hbm>>
    %dma_start3A_14 = arith.constant 0 : i32
    %dma_start3A_15 = arith.constant 0 : i32
    %dma_start3A_16 = tpu.memref_slice %dma_start3A_13[%dma_start3A_14, %dma_start3A_15] : memref<10240x64xf32, #tpu.memory_space<hbm>> -> memref<10240x64xf32, #tpu.memory_space<hbm>>
    tpu.enqueue_indirect_dma source(%dma_start3A_16 : memref<10240x64xf32, #tpu.memory_space<hbm>>) target(%dma_start3A_6 : memref<128x64xf32, #tpu.memory_space<vmem>>) offsets(%dma_start3A_9 : memref<128xi32, #tpu.memory_space<vmem>>) semaphore(%arg8 : memref<!tpu.dma_semaphore, #tpu.memory_space<semaphore_mem>>)
    %dma_start3A_17 = arith.constant 1 : i32
    %dma_start3A_18 = arith.constant 0 : i32
    %dma_start3A_19 = arith.constant 1 : i32
    %dma_start3A_20 = arith.constant 0 : i32
    %dma_start3A_21 = arith.constant 0 : i32
    %dma_start3A_22 = tpu.memref_slice %arg6[%dma_start3A_19, %dma_start3A_20, %dma_start3A_21] : memref<4x128x64xf32, #tpu.memory_space<vmem>> -> memref<1x128x64xf32, #tpu.memory_space<vmem>>
    %dma_start3A_23 = tpu.memref_squeeze %dma_start3A_22 : memref<1x128x64xf32, #tpu.memory_space<vmem>> -> memref<128x64xf32, #tpu.memory_space<vmem>>
    %dma_start3A_24 = arith.constant 0 : i32
    %dma_start3A_25 = tpu.memref_slice %arg5[%dma_start3A_17, %dma_start3A_18, %dma_start3A_24] : memref<157x2x128xi32, #tpu.memory_space<vmem>> -> memref<1x1x128xi32, #tpu.memory_space<vmem>>
    %dma_start3A_26 = tpu.memref_squeeze %dma_start3A_25 : memref<1x1x128xi32, #tpu.memory_space<vmem>> -> memref<128xi32, #tpu.memory_space<vmem>>
    %dma_start3A_27 = arith.constant 0 : i32
    %dma_start3A_28 = arith.constant 0 : i32
    %dma_start3A_29 = tpu.memref_slice %arg2[%arg0, %dma_start3A_27, %dma_start3A_28] : memref<2x10240x64xf32, #tpu.memory_space<hbm>> -> memref<1x10240x64xf32, #tpu.memory_space<hbm>>
    %dma_start3A_30 = tpu.memref_squeeze %dma_start3A_29 : memref<1x10240x64xf32, #tpu.memory_space<hbm>> -> memref<10240x64xf32, #tpu.memory_space<hbm>>
    %dma_start3A_31 = arith.constant 0 : i32
    %dma_start3A_32 = arith.constant 0 : i32
    %dma_start3A_33 = tpu.memref_slice %dma_start3A_30[%dma_start3A_31, %dma_start3A_32] : memref<10240x64xf32, #tpu.memory_space<hbm>> -> memref<10240x64xf32, #tpu.memory_space<hbm>>
    tpu.enqueue_indirect_dma source(%dma_start3A_33 : memref<10240x64xf32, #tpu.memory_space<hbm>>) target(%dma_start3A_23 : memref<128x64xf32, #tpu.memory_space<vmem>>) offsets(%dma_start3A_26 : memref<128xi32, #tpu.memory_space<vmem>>) semaphore(%arg9 : memref<!tpu.dma_semaphore, #tpu.memory_space<semaphore_mem>>)
    %dma_start3A_34 = arith.constant 2 : i32
    %dma_start3A_35 = arith.constant 0 : i32
    %dma_start3A_36 = arith.constant 2 : i32
    %dma_start3A_37 = arith.constant 0 : i32
    %dma_start3A_38 = arith.constant 0 : i32
    %dma_start3A_39 = tpu.memref_slice %arg6[%dma_start3A_36, %dma_start3A_37, %dma_start3A_38] : memref<4x128x64xf32, #tpu.memory_space<vmem>> -> memref<1x128x64xf32, #tpu.memory_space<vmem>>
    %dma_start3A_40 = tpu.memref_squeeze %dma_start3A_39 : memref<1x128x64xf32, #tpu.memory_space<vmem>> -> memref<128x64xf32, #tpu.memory_space<vmem>>
    %dma_start3A_41 = arith.constant 0 : i32
    %dma_start3A_42 = tpu.memref_slice %arg5[%dma_start3A_34, %dma_start3A_35, %dma_start3A_41] : memref<157x2x128xi32, #tpu.memory_space<vmem>> -> memref<1x1x128xi32, #tpu.memory_space<vmem>>
    %dma_start3A_43 = tpu.memref_squeeze %dma_start3A_42 : memref<1x1x128xi32, #tpu.memory_space<vmem>> -> memref<128xi32, #tpu.memory_space<vmem>>
    %dma_start3A_44 = arith.constant 0 : i32
    %dma_start3A_45 = arith.constant 0 : i32
    %dma_start3A_46 = tpu.memref_slice %arg2[%arg0, %dma_start3A_44, %dma_start3A_45] : memref<2x10240x64xf32, #tpu.memory_space<hbm>> -> memref<1x10240x64xf32, #tpu.memory_space<hbm>>
    %dma_start3A_47 = tpu.memref_squeeze %dma_start3A_46 : memref<1x10240x64xf32, #tpu.memory_space<hbm>> -> memref<10240x64xf32, #tpu.memory_space<hbm>>
    %dma_start3A_48 = arith.constant 0 : i32
    %dma_start3A_49 = arith.constant 0 : i32
    %dma_start3A_50 = tpu.memref_slice %dma_start3A_47[%dma_start3A_48, %dma_start3A_49] : memref<10240x64xf32, #tpu.memory_space<hbm>> -> memref<10240x64xf32, #tpu.memory_space<hbm>>
    tpu.enqueue_indirect_dma source(%dma_start3A_50 : memref<10240x64xf32, #tpu.memory_space<hbm>>) target(%dma_start3A_40 : memref<128x64xf32, #tpu.memory_space<vmem>>) offsets(%dma_start3A_43 : memref<128xi32, #tpu.memory_space<vmem>>) semaphore(%arg10 : memref<!tpu.dma_semaphore, #tpu.memory_space<semaphore_mem>>)
    %scan3A = arith.constant 0 : i32
    %scan3A_51 = arith.constant 40 : i32
    %scan3A_52 = arith.addi %scan3A, %scan3A_51 : i32
    %scan3A_53 = arith.constant 1 : i32
    scf.for %scan3A_107 = %scan3A to %scan3A_52 step %scan3A_53  : i32 {
      %mul3A_108 = arith.constant 4 : i32
      %mul3A_109 = arith.muli %scan3A_107, %mul3A_108 : i32
      %add3A = arith.constant 0 : i32
      %add3A_110 = arith.addi %add3A, %mul3A_109 : i32
      %add3A_111 = arith.constant 0 : i32
      %add3A_112 = arith.addi %add3A_110, %add3A_111 : i32
      %lt3A = arith.constant 157 : i32
      %lt3A_113 = arith.cmpi slt, %add3A_112, %lt3A : i32
      %convert_element_type3A = arith.extui %lt3A_113 : i1 to i32
      %cond3A = arith.constant 0 : i32
      %cond3A_114 = arith.cmpi ne, %convert_element_type3A, %cond3A : i32
      scf.if %cond3A_114 {
        %dma_wait3A_136 = arith.constant 0 : i32
        %dma_wait3A_137 = arith.constant 0 : i32
        %dma_wait3A_138 = arith.constant 0 : i32
        %dma_wait3A_139 = arith.constant 0 : i32
        %dma_wait3A_140 = tpu.memref_slice %arg6[%dma_wait3A_137, %dma_wait3A_138, %dma_wait3A_139] : memref<4x128x64xf32, #tpu.memory_space<vmem>> -> memref<1x128x64xf32, #tpu.memory_space<vmem>>
        %dma_wait3A_141 = tpu.memref_squeeze %dma_wait3A_140 : memref<1x128x64xf32, #tpu.memory_space<vmem>> -> memref<128x64xf32, #tpu.memory_space<vmem>>
        %dma_wait3A_142 = arith.constant 0 : i32
        %dma_wait3A_143 = tpu.memref_slice %arg5[%add3A_112, %dma_wait3A_136, %dma_wait3A_142] : memref<157x2x128xi32, #tpu.memory_space<vmem>> -> memref<1x1x128xi32, #tpu.memory_space<vmem>>
        %dma_wait3A_144 = tpu.memref_squeeze %dma_wait3A_143 : memref<1x1x128xi32, #tpu.memory_space<vmem>> -> memref<128xi32, #tpu.memory_space<vmem>>
        %dma_wait3A_145 = arith.constant 0 : i32
        %dma_wait3A_146 = arith.constant 0 : i32
        %dma_wait3A_147 = tpu.memref_slice %arg2[%arg0, %dma_wait3A_145, %dma_wait3A_146] : memref<2x10240x64xf32, #tpu.memory_space<hbm>> -> memref<1x10240x64xf32, #tpu.memory_space<hbm>>
        %dma_wait3A_148 = tpu.memref_squeeze %dma_wait3A_147 : memref<1x10240x64xf32, #tpu.memory_space<hbm>> -> memref<10240x64xf32, #tpu.memory_space<hbm>>
        %dma_wait3A_149 = arith.constant 0 : i32
        %dma_wait3A_150 = arith.constant 0 : i32
        %dma_wait3A_151 = tpu.memref_slice %dma_wait3A_148[%dma_wait3A_149, %dma_wait3A_150] : memref<10240x64xf32, #tpu.memory_space<hbm>> -> memref<10240x64xf32, #tpu.memory_space<hbm>>
        tpu.wait_indirect_dma semaphore(%arg8 : memref<!tpu.dma_semaphore, #tpu.memory_space<semaphore_mem>>) src(%dma_wait3A_151 : memref<10240x64xf32, #tpu.memory_space<hbm>>) dst(%dma_wait3A_141 : memref<128x64xf32, #tpu.memory_space<vmem>>)
        %dma_start3A_152 = arith.constant 0 : i32
        %dma_start3A_153 = arith.constant 1 : i32
        %dma_start3A_154 = arith.constant 0 : i32
        %dma_start3A_155 = arith.constant 0 : i32
        %dma_start3A_156 = tpu.memref_slice %arg6[%dma_start3A_152, %dma_start3A_154, %dma_start3A_155] : memref<4x128x64xf32, #tpu.memory_space<vmem>> -> memref<1x128x64xf32, #tpu.memory_space<vmem>>
        %dma_start3A_157 = tpu.memref_squeeze %dma_start3A_156 : memref<1x128x64xf32, #tpu.memory_space<vmem>> -> memref<128x64xf32, #tpu.memory_space<vmem>>
        %dma_start3A_158 = arith.constant 0 : i32
        %dma_start3A_159 = tpu.memref_slice %arg5[%add3A_112, %dma_start3A_153, %dma_start3A_158] : memref<157x2x128xi32, #tpu.memory_space<vmem>> -> memref<1x1x128xi32, #tpu.memory_space<vmem>>
        %dma_start3A_160 = tpu.memref_squeeze %dma_start3A_159 : memref<1x1x128xi32, #tpu.memory_space<vmem>> -> memref<128xi32, #tpu.memory_space<vmem>>
        %dma_start3A_161 = arith.constant 0 : i32
        %dma_start3A_162 = arith.constant 0 : i32
        %dma_start3A_163 = tpu.memref_slice %arg7[%dma_start3A_161, %dma_start3A_162] : memref<10240x64xf32, #tpu.memory_space<vmem_shared>> -> memref<10240x64xf32, #tpu.memory_space<vmem_shared>>
        tpu.enqueue_indirect_dma source(%dma_start3A_157 : memref<128x64xf32, #tpu.memory_space<vmem>>) target(%dma_start3A_163 : memref<10240x64xf32, #tpu.memory_space<vmem_shared>>) offsets(%dma_start3A_160 : memref<128xi32, #tpu.memory_space<vmem>>) semaphore(%arg12 : memref<!tpu.dma_semaphore, #tpu.memory_space<semaphore_mem>>) {add = true}
        %add3A_164 = arith.constant 3 : i32
        %add3A_165 = arith.addi %add3A_112, %add3A_164 : i32
        %lt3A_166 = arith.constant 157 : i32
        %lt3A_167 = arith.cmpi slt, %add3A_165, %lt3A_166 : i32
        %convert_element_type3A_168 = arith.extui %lt3A_167 : i1 to i32
        %cond3A_169 = arith.constant 0 : i32
        %cond3A_170 = arith.cmpi ne, %convert_element_type3A_168, %cond3A_169 : i32
        scf.if %cond3A_170 {
          %add3A_171 = arith.constant 3 : i32
          %add3A_172 = arith.addi %add3A_112, %add3A_171 : i32
          %ge3A = arith.constant 4 : i32
          %ge3A_173 = arith.cmpi sge, %add3A_172, %ge3A : i32
          %convert_element_type3A_174 = arith.extui %ge3A_173 : i1 to i32
          %cond3A_175 = arith.constant 0 : i32
          %cond3A_176 = arith.cmpi ne, %convert_element_type3A_174, %cond3A_175 : i32
          scf.if %cond3A_176 {
            %add3A_195 = arith.constant 3 : i32
            %add3A_196 = arith.addi %add3A_112, %add3A_195 : i32
            %sub3A = arith.constant 4 : i32
            %sub3A_197 = arith.subi %add3A_196, %sub3A : i32
            %dma_wait3A_198 = arith.constant 3 : i32
            %dma_wait3A_199 = arith.constant 1 : i32
            %dma_wait3A_200 = arith.constant 0 : i32
            %dma_wait3A_201 = arith.constant 0 : i32
            %dma_wait3A_202 = tpu.memref_slice %arg6[%dma_wait3A_198, %dma_wait3A_200, %dma_wait3A_201] : memref<4x128x64xf32, #tpu.memory_space<vmem>> -> memref<1x128x64xf32, #tpu.memory_space<vmem>>
            %dma_wait3A_203 = tpu.memref_squeeze %dma_wait3A_202 : memref<1x128x64xf32, #tpu.memory_space<vmem>> -> memref<128x64xf32, #tpu.memory_space<vmem>>
            %dma_wait3A_204 = arith.constant 0 : i32
            %dma_wait3A_205 = tpu.memref_slice %arg5[%sub3A_197, %dma_wait3A_199, %dma_wait3A_204] : memref<157x2x128xi32, #tpu.memory_space<vmem>> -> memref<1x1x128xi32, #tpu.memory_space<vmem>>
            %dma_wait3A_206 = tpu.memref_squeeze %dma_wait3A_205 : memref<1x1x128xi32, #tpu.memory_space<vmem>> -> memref<128xi32, #tpu.memory_space<vmem>>
            %dma_wait3A_207 = arith.constant 0 : i32
            %dma_wait3A_208 = arith.constant 0 : i32
            %dma_wait3A_209 = tpu.memref_slice %arg7[%dma_wait3A_207, %dma_wait3A_208] : memref<10240x64xf32, #tpu.memory_space<vmem_shared>> -> memref<10240x64xf32, #tpu.memory_space<vmem_shared>>
            tpu.wait_indirect_dma semaphore(%arg15 : memref<!tpu.dma_semaphore, #tpu.memory_space<semaphore_mem>>) src(%dma_wait3A_203 : memref<128x64xf32, #tpu.memory_space<vmem>>) dst(%dma_wait3A_209 : memref<10240x64xf32, #tpu.memory_space<vmem_shared>>)
          } else {
          }
          %add3A_177 = arith.constant 3 : i32
          %add3A_178 = arith.addi %add3A_112, %add3A_177 : i32
          %dma_start3A_179 = arith.constant 0 : i32
          %dma_start3A_180 = arith.constant 3 : i32
          %dma_start3A_181 = arith.constant 0 : i32
          %dma_start3A_182 = arith.constant 0 : i32
          %dma_start3A_183 = tpu.memref_slice %arg6[%dma_start3A_180, %dma_start3A_181, %dma_start3A_182] : memref<4x128x64xf32, #tpu.memory_space<vmem>> -> memref<1x128x64xf32, #tpu.memory_space<vmem>>
          %dma_start3A_184 = tpu.memref_squeeze %dma_start3A_183 : memref<1x128x64xf32, #tpu.memory_space<vmem>> -> memref<128x64xf32, #tpu.memory_space<vmem>>
          %dma_start3A_185 = arith.constant 0 : i32
          %dma_start3A_186 = tpu.memref_slice %arg5[%add3A_178, %dma_start3A_179, %dma_start3A_185] : memref<157x2x128xi32, #tpu.memory_space<vmem>> -> memref<1x1x128xi32, #tpu.memory_space<vmem>>
          %dma_start3A_187 = tpu.memref_squeeze %dma_start3A_186 : memref<1x1x128xi32, #tpu.memory_space<vmem>> -> memref<128xi32, #tpu.memory_space<vmem>>
          %dma_start3A_188 = arith.constant 0 : i32
          %dma_start3A_189 = arith.constant 0 : i32
          %dma_start3A_190 = tpu.memref_slice %arg2[%arg0, %dma_start3A_188, %dma_start3A_189] : memref<2x10240x64xf32, #tpu.memory_space<hbm>> -> memref<1x10240x64xf32, #tpu.memory_space<hbm>>
          %dma_start3A_191 = tpu.memref_squeeze %dma_start3A_190 : memref<1x10240x64xf32, #tpu.memory_space<hbm>> -> memref<10240x64xf32, #tpu.memory_space<hbm>>
          %dma_start3A_192 = arith.constant 0 : i32
          %dma_start3A_193 = arith.constant 0 : i32
          %dma_start3A_194 = tpu.memref_slice %dma_start3A_191[%dma_start3A_192, %dma_start3A_193] : memref<10240x64xf32, #tpu.memory_space<hbm>> -> memref<10240x64xf32, #tpu.memory_space<hbm>>
          tpu.enqueue_indirect_dma source(%dma_start3A_194 : memref<10240x64xf32, #tpu.memory_space<hbm>>) target(%dma_start3A_184 : memref<128x64xf32, #tpu.memory_space<vmem>>) offsets(%dma_start3A_187 : memref<128xi32, #tpu.memory_space<vmem>>) semaphore(%arg11 : memref<!tpu.dma_semaphore, #tpu.memory_space<semaphore_mem>>)
        } else {
        }
      } else {
      }
      %add3A_115 = arith.constant 1 : i32
      %add3A_116 = arith.addi %add3A_110, %add3A_115 : i32
      %lt3A_117 = arith.constant 157 : i32
      %lt3A_118 = arith.cmpi slt, %add3A_116, %lt3A_117 : i32
      %convert_element_type3A_119 = arith.extui %lt3A_118 : i1 to i32
      %cond3A_120 = arith.constant 0 : i32
      %cond3A_121 = arith.cmpi ne, %convert_element_type3A_119, %cond3A_120 : i32
      scf.if %cond3A_121 {
        %dma_wait3A_136 = arith.constant 0 : i32
        %dma_wait3A_137 = arith.constant 1 : i32
        %dma_wait3A_138 = arith.constant 0 : i32
        %dma_wait3A_139 = arith.constant 0 : i32
        %dma_wait3A_140 = tpu.memref_slice %arg6[%dma_wait3A_137, %dma_wait3A_138, %dma_wait3A_139] : memref<4x128x64xf32, #tpu.memory_space<vmem>> -> memref<1x128x64xf32, #tpu.memory_space<vmem>>
        %dma_wait3A_141 = tpu.memref_squeeze %dma_wait3A_140 : memref<1x128x64xf32, #tpu.memory_space<vmem>> -> memref<128x64xf32, #tpu.memory_space<vmem>>
        %dma_wait3A_142 = arith.constant 0 : i32
        %dma_wait3A_143 = tpu.memref_slice %arg5[%add3A_116, %dma_wait3A_136, %dma_wait3A_142] : memref<157x2x128xi32, #tpu.memory_space<vmem>> -> memref<1x1x128xi32, #tpu.memory_space<vmem>>
        %dma_wait3A_144 = tpu.memref_squeeze %dma_wait3A_143 : memref<1x1x128xi32, #tpu.memory_space<vmem>> -> memref<128xi32, #tpu.memory_space<vmem>>
        %dma_wait3A_145 = arith.constant 0 : i32
        %dma_wait3A_146 = arith.constant 0 : i32
        %dma_wait3A_147 = tpu.memref_slice %arg2[%arg0, %dma_wait3A_145, %dma_wait3A_146] : memref<2x10240x64xf32, #tpu.memory_space<hbm>> -> memref<1x10240x64xf32, #tpu.memory_space<hbm>>
        %dma_wait3A_148 = tpu.memref_squeeze %dma_wait3A_147 : memref<1x10240x64xf32, #tpu.memory_space<hbm>> -> memref<10240x64xf32, #tpu.memory_space<hbm>>
        %dma_wait3A_149 = arith.constant 0 : i32
        %dma_wait3A_150 = arith.constant 0 : i32
        %dma_wait3A_151 = tpu.memref_slice %dma_wait3A_148[%dma_wait3A_149, %dma_wait3A_150] : memref<10240x64xf32, #tpu.memory_space<hbm>> -> memref<10240x64xf32, #tpu.memory_space<hbm>>
        tpu.wait_indirect_dma semaphore(%arg9 : memref<!tpu.dma_semaphore, #tpu.memory_space<semaphore_mem>>) src(%dma_wait3A_151 : memref<10240x64xf32, #tpu.memory_space<hbm>>) dst(%dma_wait3A_141 : memref<128x64xf32, #tpu.memory_space<vmem>>)
        %dma_start3A_152 = arith.constant 1 : i32
        %dma_start3A_153 = arith.constant 1 : i32
        %dma_start3A_154 = arith.constant 0 : i32
        %dma_start3A_155 = arith.constant 0 : i32
        %dma_start3A_156 = tpu.memref_slice %arg6[%dma_start3A_152, %dma_start3A_154, %dma_start3A_155] : memref<4x128x64xf32, #tpu.memory_space<vmem>> -> memref<1x128x64xf32, #tpu.memory_space<vmem>>
        %dma_start3A_157 = tpu.memref_squeeze %dma_start3A_156 : memref<1x128x64xf32, #tpu.memory_space<vmem>> -> memref<128x64xf32, #tpu.memory_space<vmem>>
        %dma_start3A_158 = arith.constant 0 : i32
        %dma_start3A_159 = tpu.memref_slice %arg5[%add3A_116, %dma_start3A_153, %dma_start3A_158] : memref<157x2x128xi32, #tpu.memory_space<vmem>> -> memref<1x1x128xi32, #tpu.memory_space<vmem>>
        %dma_start3A_160 = tpu.memref_squeeze %dma_start3A_159 : memref<1x1x128xi32, #tpu.memory_space<vmem>> -> memref<128xi32, #tpu.memory_space<vmem>>
        %dma_start3A_161 = arith.constant 0 : i32
        %dma_start3A_162 = arith.constant 0 : i32
        %dma_start3A_163 = tpu.memref_slice %arg7[%dma_start3A_161, %dma_start3A_162] : memref<10240x64xf32, #tpu.memory_space<vmem_shared>> -> memref<10240x64xf32, #tpu.memory_space<vmem_shared>>
        tpu.enqueue_indirect_dma source(%dma_start3A_157 : memref<128x64xf32, #tpu.memory_space<vmem>>) target(%dma_start3A_163 : memref<10240x64xf32, #tpu.memory_space<vmem_shared>>) offsets(%dma_start3A_160 : memref<128xi32, #tpu.memory_space<vmem>>) semaphore(%arg13 : memref<!tpu.dma_semaphore, #tpu.memory_space<semaphore_mem>>) {add = true}
        %add3A_164 = arith.constant 3 : i32
        %add3A_165 = arith.addi %add3A_116, %add3A_164 : i32
        %lt3A_166 = arith.constant 157 : i32
        %lt3A_167 = arith.cmpi slt, %add3A_165, %lt3A_166 : i32
        %convert_element_type3A_168 = arith.extui %lt3A_167 : i1 to i32
        %cond3A_169 = arith.constant 0 : i32
        %cond3A_170 = arith.cmpi ne, %convert_element_type3A_168, %cond3A_169 : i32
        scf.if %cond3A_170 {
          %add3A_171 = arith.constant 3 : i32
          %add3A_172 = arith.addi %add3A_116, %add3A_171 : i32
          %ge3A = arith.constant 4 : i32
          %ge3A_173 = arith.cmpi sge, %add3A_172, %ge3A : i32
          %convert_element_type3A_174 = arith.extui %ge3A_173 : i1 to i32
          %cond3A_175 = arith.constant 0 : i32
          %cond3A_176 = arith.cmpi ne, %convert_element_type3A_174, %cond3A_175 : i32
          scf.if %cond3A_176 {
            %add3A_195 = arith.constant 3 : i32
            %add3A_196 = arith.addi %add3A_116, %add3A_195 : i32
            %sub3A = arith.constant 4 : i32
            %sub3A_197 = arith.subi %add3A_196, %sub3A : i32
            %dma_wait3A_198 = arith.constant 0 : i32
            %dma_wait3A_199 = arith.constant 1 : i32
            %dma_wait3A_200 = arith.constant 0 : i32
            %dma_wait3A_201 = arith.constant 0 : i32
            %dma_wait3A_202 = tpu.memref_slice %arg6[%dma_wait3A_198, %dma_wait3A_200, %dma_wait3A_201] : memref<4x128x64xf32, #tpu.memory_space<vmem>> -> memref<1x128x64xf32, #tpu.memory_space<vmem>>
            %dma_wait3A_203 = tpu.memref_squeeze %dma_wait3A_202 : memref<1x128x64xf32, #tpu.memory_space<vmem>> -> memref<128x64xf32, #tpu.memory_space<vmem>>
            %dma_wait3A_204 = arith.constant 0 : i32
            %dma_wait3A_205 = tpu.memref_slice %arg5[%sub3A_197, %dma_wait3A_199, %dma_wait3A_204] : memref<157x2x128xi32, #tpu.memory_space<vmem>> -> memref<1x1x128xi32, #tpu.memory_space<vmem>>
            %dma_wait3A_206 = tpu.memref_squeeze %dma_wait3A_205 : memref<1x1x128xi32, #tpu.memory_space<vmem>> -> memref<128xi32, #tpu.memory_space<vmem>>
            %dma_wait3A_207 = arith.constant 0 : i32
            %dma_wait3A_208 = arith.constant 0 : i32
            %dma_wait3A_209 = tpu.memref_slice %arg7[%dma_wait3A_207, %dma_wait3A_208] : memref<10240x64xf32, #tpu.memory_space<vmem_shared>> -> memref<10240x64xf32, #tpu.memory_space<vmem_shared>>
            tpu.wait_indirect_dma semaphore(%arg12 : memref<!tpu.dma_semaphore, #tpu.memory_space<semaphore_mem>>) src(%dma_wait3A_203 : memref<128x64xf32, #tpu.memory_space<vmem>>) dst(%dma_wait3A_209 : memref<10240x64xf32, #tpu.memory_space<vmem_shared>>)
          } else {
          }
          %add3A_177 = arith.constant 3 : i32
          %add3A_178 = arith.addi %add3A_116, %add3A_177 : i32
          %dma_start3A_179 = arith.constant 0 : i32
          %dma_start3A_180 = arith.constant 0 : i32
          %dma_start3A_181 = arith.constant 0 : i32
          %dma_start3A_182 = arith.constant 0 : i32
          %dma_start3A_183 = tpu.memref_slice %arg6[%dma_start3A_180, %dma_start3A_181, %dma_start3A_182] : memref<4x128x64xf32, #tpu.memory_space<vmem>> -> memref<1x128x64xf32, #tpu.memory_space<vmem>>
          %dma_start3A_184 = tpu.memref_squeeze %dma_start3A_183 : memref<1x128x64xf32, #tpu.memory_space<vmem>> -> memref<128x64xf32, #tpu.memory_space<vmem>>
          %dma_start3A_185 = arith.constant 0 : i32
          %dma_start3A_186 = tpu.memref_slice %arg5[%add3A_178, %dma_start3A_179, %dma_start3A_185] : memref<157x2x128xi32, #tpu.memory_space<vmem>> -> memref<1x1x128xi32, #tpu.memory_space<vmem>>
          %dma_start3A_187 = tpu.memref_squeeze %dma_start3A_186 : memref<1x1x128xi32, #tpu.memory_space<vmem>> -> memref<128xi32, #tpu.memory_space<vmem>>
          %dma_start3A_188 = arith.constant 0 : i32
          %dma_start3A_189 = arith.constant 0 : i32
          %dma_start3A_190 = tpu.memref_slice %arg2[%arg0, %dma_start3A_188, %dma_start3A_189] : memref<2x10240x64xf32, #tpu.memory_space<hbm>> -> memref<1x10240x64xf32, #tpu.memory_space<hbm>>
          %dma_start3A_191 = tpu.memref_squeeze %dma_start3A_190 : memref<1x10240x64xf32, #tpu.memory_space<hbm>> -> memref<10240x64xf32, #tpu.memory_space<hbm>>
          %dma_start3A_192 = arith.constant 0 : i32
          %dma_start3A_193 = arith.constant 0 : i32
          %dma_start3A_194 = tpu.memref_slice %dma_start3A_191[%dma_start3A_192, %dma_start3A_193] : memref<10240x64xf32, #tpu.memory_space<hbm>> -> memref<10240x64xf32, #tpu.memory_space<hbm>>
          tpu.enqueue_indirect_dma source(%dma_start3A_194 : memref<10240x64xf32, #tpu.memory_space<hbm>>) target(%dma_start3A_184 : memref<128x64xf32, #tpu.memory_space<vmem>>) offsets(%dma_start3A_187 : memref<128xi32, #tpu.memory_space<vmem>>) semaphore(%arg8 : memref<!tpu.dma_semaphore, #tpu.memory_space<semaphore_mem>>)
        } else {
        }
      } else {
      }
      %add3A_122 = arith.constant 2 : i32
      %add3A_123 = arith.addi %add3A_110, %add3A_122 : i32
      %lt3A_124 = arith.constant 157 : i32
      %lt3A_125 = arith.cmpi slt, %add3A_123, %lt3A_124 : i32
      %convert_element_type3A_126 = arith.extui %lt3A_125 : i1 to i32
      %cond3A_127 = arith.constant 0 : i32
      %cond3A_128 = arith.cmpi ne, %convert_element_type3A_126, %cond3A_127 : i32
      scf.if %cond3A_128 {
        %dma_wait3A_136 = arith.constant 0 : i32
        %dma_wait3A_137 = arith.constant 2 : i32
        %dma_wait3A_138 = arith.constant 0 : i32
        %dma_wait3A_139 = arith.constant 0 : i32
        %dma_wait3A_140 = tpu.memref_slice %arg6[%dma_wait3A_137, %dma_wait3A_138, %dma_wait3A_139] : memref<4x128x64xf32, #tpu.memory_space<vmem>> -> memref<1x128x64xf32, #tpu.memory_space<vmem>>
        %dma_wait3A_141 = tpu.memref_squeeze %dma_wait3A_140 : memref<1x128x64xf32, #tpu.memory_space<vmem>> -> memref<128x64xf32, #tpu.memory_space<vmem>>
        %dma_wait3A_142 = arith.constant 0 : i32
        %dma_wait3A_143 = tpu.memref_slice %arg5[%add3A_123, %dma_wait3A_136, %dma_wait3A_142] : memref<157x2x128xi32, #tpu.memory_space<vmem>> -> memref<1x1x128xi32, #tpu.memory_space<vmem>>
        %dma_wait3A_144 = tpu.memref_squeeze %dma_wait3A_143 : memref<1x1x128xi32, #tpu.memory_space<vmem>> -> memref<128xi32, #tpu.memory_space<vmem>>
        %dma_wait3A_145 = arith.constant 0 : i32
        %dma_wait3A_146 = arith.constant 0 : i32
        %dma_wait3A_147 = tpu.memref_slice %arg2[%arg0, %dma_wait3A_145, %dma_wait3A_146] : memref<2x10240x64xf32, #tpu.memory_space<hbm>> -> memref<1x10240x64xf32, #tpu.memory_space<hbm>>
        %dma_wait3A_148 = tpu.memref_squeeze %dma_wait3A_147 : memref<1x10240x64xf32, #tpu.memory_space<hbm>> -> memref<10240x64xf32, #tpu.memory_space<hbm>>
        %dma_wait3A_149 = arith.constant 0 : i32
        %dma_wait3A_150 = arith.constant 0 : i32
        %dma_wait3A_151 = tpu.memref_slice %dma_wait3A_148[%dma_wait3A_149, %dma_wait3A_150] : memref<10240x64xf32, #tpu.memory_space<hbm>> -> memref<10240x64xf32, #tpu.memory_space<hbm>>
        tpu.wait_indirect_dma semaphore(%arg10 : memref<!tpu.dma_semaphore, #tpu.memory_space<semaphore_mem>>) src(%dma_wait3A_151 : memref<10240x64xf32, #tpu.memory_space<hbm>>) dst(%dma_wait3A_141 : memref<128x64xf32, #tpu.memory_space<vmem>>)
        %dma_start3A_152 = arith.constant 2 : i32
        %dma_start3A_153 = arith.constant 1 : i32
        %dma_start3A_154 = arith.constant 0 : i32
        %dma_start3A_155 = arith.constant 0 : i32
        %dma_start3A_156 = tpu.memref_slice %arg6[%dma_start3A_152, %dma_start3A_154, %dma_start3A_155] : memref<4x128x64xf32, #tpu.memory_space<vmem>> -> memref<1x128x64xf32, #tpu.memory_space<vmem>>
        %dma_start3A_157 = tpu.memref_squeeze %dma_start3A_156 : memref<1x128x64xf32, #tpu.memory_space<vmem>> -> memref<128x64xf32, #tpu.memory_space<vmem>>
        %dma_start3A_158 = arith.constant 0 : i32
        %dma_start3A_159 = tpu.memref_slice %arg5[%add3A_123, %dma_start3A_153, %dma_start3A_158] : memref<157x2x128xi32, #tpu.memory_space<vmem>> -> memref<1x1x128xi32, #tpu.memory_space<vmem>>
        %dma_start3A_160 = tpu.memref_squeeze %dma_start3A_159 : memref<1x1x128xi32, #tpu.memory_space<vmem>> -> memref<128xi32, #tpu.memory_space<vmem>>
        %dma_start3A_161 = arith.constant 0 : i32
        %dma_start3A_162 = arith.constant 0 : i32
        %dma_start3A_163 = tpu.memref_slice %arg7[%dma_start3A_161, %dma_start3A_162] : memref<10240x64xf32, #tpu.memory_space<vmem_shared>> -> memref<10240x64xf32, #tpu.memory_space<vmem_shared>>
        tpu.enqueue_indirect_dma source(%dma_start3A_157 : memref<128x64xf32, #tpu.memory_space<vmem>>) target(%dma_start3A_163 : memref<10240x64xf32, #tpu.memory_space<vmem_shared>>) offsets(%dma_start3A_160 : memref<128xi32, #tpu.memory_space<vmem>>) semaphore(%arg14 : memref<!tpu.dma_semaphore, #tpu.memory_space<semaphore_mem>>) {add = true}
        %add3A_164 = arith.constant 3 : i32
        %add3A_165 = arith.addi %add3A_123, %add3A_164 : i32
        %lt3A_166 = arith.constant 157 : i32
        %lt3A_167 = arith.cmpi slt, %add3A_165, %lt3A_166 : i32
        %convert_element_type3A_168 = arith.extui %lt3A_167 : i1 to i32
        %cond3A_169 = arith.constant 0 : i32
        %cond3A_170 = arith.cmpi ne, %convert_element_type3A_168, %cond3A_169 : i32
        scf.if %cond3A_170 {
          %add3A_171 = arith.constant 3 : i32
          %add3A_172 = arith.addi %add3A_123, %add3A_171 : i32
          %ge3A = arith.constant 4 : i32
          %ge3A_173 = arith.cmpi sge, %add3A_172, %ge3A : i32
          %convert_element_type3A_174 = arith.extui %ge3A_173 : i1 to i32
          %cond3A_175 = arith.constant 0 : i32
          %cond3A_176 = arith.cmpi ne, %convert_element_type3A_174, %cond3A_175 : i32
          scf.if %cond3A_176 {
            %add3A_195 = arith.constant 3 : i32
            %add3A_196 = arith.addi %add3A_123, %add3A_195 : i32
            %sub3A = arith.constant 4 : i32
            %sub3A_197 = arith.subi %add3A_196, %sub3A : i32
            %dma_wait3A_198 = arith.constant 1 : i32
            %dma_wait3A_199 = arith.constant 1 : i32
            %dma_wait3A_200 = arith.constant 0 : i32
            %dma_wait3A_201 = arith.constant 0 : i32
            %dma_wait3A_202 = tpu.memref_slice %arg6[%dma_wait3A_198, %dma_wait3A_200, %dma_wait3A_201] : memref<4x128x64xf32, #tpu.memory_space<vmem>> -> memref<1x128x64xf32, #tpu.memory_space<vmem>>
            %dma_wait3A_203 = tpu.memref_squeeze %dma_wait3A_202 : memref<1x128x64xf32, #tpu.memory_space<vmem>> -> memref<128x64xf32, #tpu.memory_space<vmem>>
            %dma_wait3A_204 = arith.constant 0 : i32
            %dma_wait3A_205 = tpu.memref_slice %arg5[%sub3A_197, %dma_wait3A_199, %dma_wait3A_204] : memref<157x2x128xi32, #tpu.memory_space<vmem>> -> memref<1x1x128xi32, #tpu.memory_space<vmem>>
            %dma_wait3A_206 = tpu.memref_squeeze %dma_wait3A_205 : memref<1x1x128xi32, #tpu.memory_space<vmem>> -> memref<128xi32, #tpu.memory_space<vmem>>
            %dma_wait3A_207 = arith.constant 0 : i32
            %dma_wait3A_208 = arith.constant 0 : i32
            %dma_wait3A_209 = tpu.memref_slice %arg7[%dma_wait3A_207, %dma_wait3A_208] : memref<10240x64xf32, #tpu.memory_space<vmem_shared>> -> memref<10240x64xf32, #tpu.memory_space<vmem_shared>>
            tpu.wait_indirect_dma semaphore(%arg13 : memref<!tpu.dma_semaphore, #tpu.memory_space<semaphore_mem>>) src(%dma_wait3A_203 : memref<128x64xf32, #tpu.memory_space<vmem>>) dst(%dma_wait3A_209 : memref<10240x64xf32, #tpu.memory_space<vmem_shared>>)
          } else {
          }
          %add3A_177 = arith.constant 3 : i32
          %add3A_178 = arith.addi %add3A_123, %add3A_177 : i32
          %dma_start3A_179 = arith.constant 0 : i32
          %dma_start3A_180 = arith.constant 1 : i32
          %dma_start3A_181 = arith.constant 0 : i32
          %dma_start3A_182 = arith.constant 0 : i32
          %dma_start3A_183 = tpu.memref_slice %arg6[%dma_start3A_180, %dma_start3A_181, %dma_start3A_182] : memref<4x128x64xf32, #tpu.memory_space<vmem>> -> memref<1x128x64xf32, #tpu.memory_space<vmem>>
          %dma_start3A_184 = tpu.memref_squeeze %dma_start3A_183 : memref<1x128x64xf32, #tpu.memory_space<vmem>> -> memref<128x64xf32, #tpu.memory_space<vmem>>
          %dma_start3A_185 = arith.constant 0 : i32
          %dma_start3A_186 = tpu.memref_slice %arg5[%add3A_178, %dma_start3A_179, %dma_start3A_185] : memref<157x2x128xi32, #tpu.memory_space<vmem>> -> memref<1x1x128xi32, #tpu.memory_space<vmem>>
          %dma_start3A_187 = tpu.memref_squeeze %dma_start3A_186 : memref<1x1x128xi32, #tpu.memory_space<vmem>> -> memref<128xi32, #tpu.memory_space<vmem>>
          %dma_start3A_188 = arith.constant 0 : i32
          %dma_start3A_189 = arith.constant 0 : i32
          %dma_start3A_190 = tpu.memref_slice %arg2[%arg0, %dma_start3A_188, %dma_start3A_189] : memref<2x10240x64xf32, #tpu.memory_space<hbm>> -> memref<1x10240x64xf32, #tpu.memory_space<hbm>>
          %dma_start3A_191 = tpu.memref_squeeze %dma_start3A_190 : memref<1x10240x64xf32, #tpu.memory_space<hbm>> -> memref<10240x64xf32, #tpu.memory_space<hbm>>
          %dma_start3A_192 = arith.constant 0 : i32
          %dma_start3A_193 = arith.constant 0 : i32
          %dma_start3A_194 = tpu.memref_slice %dma_start3A_191[%dma_start3A_192, %dma_start3A_193] : memref<10240x64xf32, #tpu.memory_space<hbm>> -> memref<10240x64xf32, #tpu.memory_space<hbm>>
          tpu.enqueue_indirect_dma source(%dma_start3A_194 : memref<10240x64xf32, #tpu.memory_space<hbm>>) target(%dma_start3A_184 : memref<128x64xf32, #tpu.memory_space<vmem>>) offsets(%dma_start3A_187 : memref<128xi32, #tpu.memory_space<vmem>>) semaphore(%arg9 : memref<!tpu.dma_semaphore, #tpu.memory_space<semaphore_mem>>)
        } else {
        }
      } else {
      }
      %add3A_129 = arith.constant 3 : i32
      %add3A_130 = arith.addi %add3A_110, %add3A_129 : i32
      %lt3A_131 = arith.constant 157 : i32
      %lt3A_132 = arith.cmpi slt, %add3A_130, %lt3A_131 : i32
      %convert_element_type3A_133 = arith.extui %lt3A_132 : i1 to i32
      %cond3A_134 = arith.constant 0 : i32
      %cond3A_135 = arith.cmpi ne, %convert_element_type3A_133, %cond3A_134 : i32
      scf.if %cond3A_135 {
        %dma_wait3A_136 = arith.constant 0 : i32
        %dma_wait3A_137 = arith.constant 3 : i32
        %dma_wait3A_138 = arith.constant 0 : i32
        %dma_wait3A_139 = arith.constant 0 : i32
        %dma_wait3A_140 = tpu.memref_slice %arg6[%dma_wait3A_137, %dma_wait3A_138, %dma_wait3A_139] : memref<4x128x64xf32, #tpu.memory_space<vmem>> -> memref<1x128x64xf32, #tpu.memory_space<vmem>>
        %dma_wait3A_141 = tpu.memref_squeeze %dma_wait3A_140 : memref<1x128x64xf32, #tpu.memory_space<vmem>> -> memref<128x64xf32, #tpu.memory_space<vmem>>
        %dma_wait3A_142 = arith.constant 0 : i32
        %dma_wait3A_143 = tpu.memref_slice %arg5[%add3A_130, %dma_wait3A_136, %dma_wait3A_142] : memref<157x2x128xi32, #tpu.memory_space<vmem>> -> memref<1x1x128xi32, #tpu.memory_space<vmem>>
        %dma_wait3A_144 = tpu.memref_squeeze %dma_wait3A_143 : memref<1x1x128xi32, #tpu.memory_space<vmem>> -> memref<128xi32, #tpu.memory_space<vmem>>
        %dma_wait3A_145 = arith.constant 0 : i32
        %dma_wait3A_146 = arith.constant 0 : i32
        %dma_wait3A_147 = tpu.memref_slice %arg2[%arg0, %dma_wait3A_145, %dma_wait3A_146] : memref<2x10240x64xf32, #tpu.memory_space<hbm>> -> memref<1x10240x64xf32, #tpu.memory_space<hbm>>
        %dma_wait3A_148 = tpu.memref_squeeze %dma_wait3A_147 : memref<1x10240x64xf32, #tpu.memory_space<hbm>> -> memref<10240x64xf32, #tpu.memory_space<hbm>>
        %dma_wait3A_149 = arith.constant 0 : i32
        %dma_wait3A_150 = arith.constant 0 : i32
        %dma_wait3A_151 = tpu.memref_slice %dma_wait3A_148[%dma_wait3A_149, %dma_wait3A_150] : memref<10240x64xf32, #tpu.memory_space<hbm>> -> memref<10240x64xf32, #tpu.memory_space<hbm>>
        tpu.wait_indirect_dma semaphore(%arg11 : memref<!tpu.dma_semaphore, #tpu.memory_space<semaphore_mem>>) src(%dma_wait3A_151 : memref<10240x64xf32, #tpu.memory_space<hbm>>) dst(%dma_wait3A_141 : memref<128x64xf32, #tpu.memory_space<vmem>>)
        %dma_start3A_152 = arith.constant 3 : i32
        %dma_start3A_153 = arith.constant 1 : i32
        %dma_start3A_154 = arith.constant 0 : i32
        %dma_start3A_155 = arith.constant 0 : i32
        %dma_start3A_156 = tpu.memref_slice %arg6[%dma_start3A_152, %dma_start3A_154, %dma_start3A_155] : memref<4x128x64xf32, #tpu.memory_space<vmem>> -> memref<1x128x64xf32, #tpu.memory_space<vmem>>
        %dma_start3A_157 = tpu.memref_squeeze %dma_start3A_156 : memref<1x128x64xf32, #tpu.memory_space<vmem>> -> memref<128x64xf32, #tpu.memory_space<vmem>>
        %dma_start3A_158 = arith.constant 0 : i32
        %dma_start3A_159 = tpu.memref_slice %arg5[%add3A_130, %dma_start3A_153, %dma_start3A_158] : memref<157x2x128xi32, #tpu.memory_space<vmem>> -> memref<1x1x128xi32, #tpu.memory_space<vmem>>
        %dma_start3A_160 = tpu.memref_squeeze %dma_start3A_159 : memref<1x1x128xi32, #tpu.memory_space<vmem>> -> memref<128xi32, #tpu.memory_space<vmem>>
        %dma_start3A_161 = arith.constant 0 : i32
        %dma_start3A_162 = arith.constant 0 : i32
        %dma_start3A_163 = tpu.memref_slice %arg7[%dma_start3A_161, %dma_start3A_162] : memref<10240x64xf32, #tpu.memory_space<vmem_shared>> -> memref<10240x64xf32, #tpu.memory_space<vmem_shared>>
        tpu.enqueue_indirect_dma source(%dma_start3A_157 : memref<128x64xf32, #tpu.memory_space<vmem>>) target(%dma_start3A_163 : memref<10240x64xf32, #tpu.memory_space<vmem_shared>>) offsets(%dma_start3A_160 : memref<128xi32, #tpu.memory_space<vmem>>) semaphore(%arg15 : memref<!tpu.dma_semaphore, #tpu.memory_space<semaphore_mem>>) {add = true}
        %add3A_164 = arith.constant 3 : i32
        %add3A_165 = arith.addi %add3A_130, %add3A_164 : i32
        %lt3A_166 = arith.constant 157 : i32
        %lt3A_167 = arith.cmpi slt, %add3A_165, %lt3A_166 : i32
        %convert_element_type3A_168 = arith.extui %lt3A_167 : i1 to i32
        %cond3A_169 = arith.constant 0 : i32
        %cond3A_170 = arith.cmpi ne, %convert_element_type3A_168, %cond3A_169 : i32
        scf.if %cond3A_170 {
          %add3A_171 = arith.constant 3 : i32
          %add3A_172 = arith.addi %add3A_130, %add3A_171 : i32
          %ge3A = arith.constant 4 : i32
          %ge3A_173 = arith.cmpi sge, %add3A_172, %ge3A : i32
          %convert_element_type3A_174 = arith.extui %ge3A_173 : i1 to i32
          %cond3A_175 = arith.constant 0 : i32
          %cond3A_176 = arith.cmpi ne, %convert_element_type3A_174, %cond3A_175 : i32
          scf.if %cond3A_176 {
            %add3A_195 = arith.constant 3 : i32
            %add3A_196 = arith.addi %add3A_130, %add3A_195 : i32
            %sub3A = arith.constant 4 : i32
            %sub3A_197 = arith.subi %add3A_196, %sub3A : i32
            %dma_wait3A_198 = arith.constant 2 : i32
            %dma_wait3A_199 = arith.constant 1 : i32
            %dma_wait3A_200 = arith.constant 0 : i32
            %dma_wait3A_201 = arith.constant 0 : i32
            %dma_wait3A_202 = tpu.memref_slice %arg6[%dma_wait3A_198, %dma_wait3A_200, %dma_wait3A_201] : memref<4x128x64xf32, #tpu.memory_space<vmem>> -> memref<1x128x64xf32, #tpu.memory_space<vmem>>
            %dma_wait3A_203 = tpu.memref_squeeze %dma_wait3A_202 : memref<1x128x64xf32, #tpu.memory_space<vmem>> -> memref<128x64xf32, #tpu.memory_space<vmem>>
            %dma_wait3A_204 = arith.constant 0 : i32
            %dma_wait3A_205 = tpu.memref_slice %arg5[%sub3A_197, %dma_wait3A_199, %dma_wait3A_204] : memref<157x2x128xi32, #tpu.memory_space<vmem>> -> memref<1x1x128xi32, #tpu.memory_space<vmem>>
            %dma_wait3A_206 = tpu.memref_squeeze %dma_wait3A_205 : memref<1x1x128xi32, #tpu.memory_space<vmem>> -> memref<128xi32, #tpu.memory_space<vmem>>
            %dma_wait3A_207 = arith.constant 0 : i32
            %dma_wait3A_208 = arith.constant 0 : i32
            %dma_wait3A_209 = tpu.memref_slice %arg7[%dma_wait3A_207, %dma_wait3A_208] : memref<10240x64xf32, #tpu.memory_space<vmem_shared>> -> memref<10240x64xf32, #tpu.memory_space<vmem_shared>>
            tpu.wait_indirect_dma semaphore(%arg14 : memref<!tpu.dma_semaphore, #tpu.memory_space<semaphore_mem>>) src(%dma_wait3A_203 : memref<128x64xf32, #tpu.memory_space<vmem>>) dst(%dma_wait3A_209 : memref<10240x64xf32, #tpu.memory_space<vmem_shared>>)
          } else {
          }
          %add3A_177 = arith.constant 3 : i32
          %add3A_178 = arith.addi %add3A_130, %add3A_177 : i32
          %dma_start3A_179 = arith.constant 0 : i32
          %dma_start3A_180 = arith.constant 2 : i32
          %dma_start3A_181 = arith.constant 0 : i32
          %dma_start3A_182 = arith.constant 0 : i32
          %dma_start3A_183 = tpu.memref_slice %arg6[%dma_start3A_180, %dma_start3A_181, %dma_start3A_182] : memref<4x128x64xf32, #tpu.memory_space<vmem>> -> memref<1x128x64xf32, #tpu.memory_space<vmem>>
          %dma_start3A_184 = tpu.memref_squeeze %dma_start3A_183 : memref<1x128x64xf32, #tpu.memory_space<vmem>> -> memref<128x64xf32, #tpu.memory_space<vmem>>
          %dma_start3A_185 = arith.constant 0 : i32
          %dma_start3A_186 = tpu.memref_slice %arg5[%add3A_178, %dma_start3A_179, %dma_start3A_185] : memref<157x2x128xi32, #tpu.memory_space<vmem>> -> memref<1x1x128xi32, #tpu.memory_space<vmem>>
          %dma_start3A_187 = tpu.memref_squeeze %dma_start3A_186 : memref<1x1x128xi32, #tpu.memory_space<vmem>> -> memref<128xi32, #tpu.memory_space<vmem>>
          %dma_start3A_188 = arith.constant 0 : i32
          %dma_start3A_189 = arith.constant 0 : i32
          %dma_start3A_190 = tpu.memref_slice %arg2[%arg0, %dma_start3A_188, %dma_start3A_189] : memref<2x10240x64xf32, #tpu.memory_space<hbm>> -> memref<1x10240x64xf32, #tpu.memory_space<hbm>>
          %dma_start3A_191 = tpu.memref_squeeze %dma_start3A_190 : memref<1x10240x64xf32, #tpu.memory_space<hbm>> -> memref<10240x64xf32, #tpu.memory_space<hbm>>
          %dma_start3A_192 = arith.constant 0 : i32
          %dma_start3A_193 = arith.constant 0 : i32
          %dma_start3A_194 = tpu.memref_slice %dma_start3A_191[%dma_start3A_192, %dma_start3A_193] : memref<10240x64xf32, #tpu.memory_space<hbm>> -> memref<10240x64xf32, #tpu.memory_space<hbm>>
          tpu.enqueue_indirect_dma source(%dma_start3A_194 : memref<10240x64xf32, #tpu.memory_space<hbm>>) target(%dma_start3A_184 : memref<128x64xf32, #tpu.memory_space<vmem>>) offsets(%dma_start3A_187 : memref<128xi32, #tpu.memory_space<vmem>>) semaphore(%arg10 : memref<!tpu.dma_semaphore, #tpu.memory_space<semaphore_mem>>)
        } else {
        }
      } else {
      }
    }
    %scan3A_54 = arith.constant 40 : i32
    %dma_wait3A = arith.constant 1 : i32
    %dma_wait3A_55 = arith.constant 153 : i32
    %dma_wait3A_56 = arith.constant 1 : i32
    %dma_wait3A_57 = arith.constant 0 : i32
    %dma_wait3A_58 = arith.constant 0 : i32
    %dma_wait3A_59 = tpu.memref_slice %arg6[%dma_wait3A, %dma_wait3A_57, %dma_wait3A_58] : memref<4x128x64xf32, #tpu.memory_space<vmem>> -> memref<1x128x64xf32, #tpu.memory_space<vmem>>
    %dma_wait3A_60 = tpu.memref_squeeze %dma_wait3A_59 : memref<1x128x64xf32, #tpu.memory_space<vmem>> -> memref<128x64xf32, #tpu.memory_space<vmem>>
    %dma_wait3A_61 = arith.constant 0 : i32
    %dma_wait3A_62 = tpu.memref_slice %arg5[%dma_wait3A_55, %dma_wait3A_56, %dma_wait3A_61] : memref<157x2x128xi32, #tpu.memory_space<vmem>> -> memref<1x1x128xi32, #tpu.memory_space<vmem>>
    %dma_wait3A_63 = tpu.memref_squeeze %dma_wait3A_62 : memref<1x1x128xi32, #tpu.memory_space<vmem>> -> memref<128xi32, #tpu.memory_space<vmem>>
    %dma_wait3A_64 = arith.constant 0 : i32
    %dma_wait3A_65 = arith.constant 0 : i32
    %dma_wait3A_66 = tpu.memref_slice %arg7[%dma_wait3A_64, %dma_wait3A_65] : memref<10240x64xf32, #tpu.memory_space<vmem_shared>> -> memref<10240x64xf32, #tpu.memory_space<vmem_shared>>
    tpu.wait_indirect_dma semaphore(%arg13 : memref<!tpu.dma_semaphore, #tpu.memory_space<semaphore_mem>>) src(%dma_wait3A_60 : memref<128x64xf32, #tpu.memory_space<vmem>>) dst(%dma_wait3A_66 : memref<10240x64xf32, #tpu.memory_space<vmem_shared>>)
    %dma_wait3A_67 = arith.constant 2 : i32
    %dma_wait3A_68 = arith.constant 154 : i32
    %dma_wait3A_69 = arith.constant 1 : i32
    %dma_wait3A_70 = arith.constant 0 : i32
    %dma_wait3A_71 = arith.constant 0 : i32
    %dma_wait3A_72 = tpu.memref_slice %arg6[%dma_wait3A_67, %dma_wait3A_70, %dma_wait3A_71] : memref<4x128x64xf32, #tpu.memory_space<vmem>> -> memref<1x128x64xf32, #tpu.memory_space<vmem>>
    %dma_wait3A_73 = tpu.memref_squeeze %dma_wait3A_72 : memref<1x128x64xf32, #tpu.memory_space<vmem>> -> memref<128x64xf32, #tpu.memory_space<vmem>>
    %dma_wait3A_74 = arith.constant 0 : i32
    %dma_wait3A_75 = tpu.memref_slice %arg5[%dma_wait3A_68, %dma_wait3A_69, %dma_wait3A_74] : memref<157x2x128xi32, #tpu.memory_space<vmem>> -> memref<1x1x128xi32, #tpu.memory_space<vmem>>
    %dma_wait3A_76 = tpu.memref_squeeze %dma_wait3A_75 : memref<1x1x128xi32, #tpu.memory_space<vmem>> -> memref<128xi32, #tpu.memory_space<vmem>>
    %dma_wait3A_77 = arith.constant 0 : i32
    %dma_wait3A_78 = arith.constant 0 : i32
    %dma_wait3A_79 = tpu.memref_slice %arg7[%dma_wait3A_77, %dma_wait3A_78] : memref<10240x64xf32, #tpu.memory_space<vmem_shared>> -> memref<10240x64xf32, #tpu.memory_space<vmem_shared>>
    tpu.wait_indirect_dma semaphore(%arg14 : memref<!tpu.dma_semaphore, #tpu.memory_space<semaphore_mem>>) src(%dma_wait3A_73 : memref<128x64xf32, #tpu.memory_space<vmem>>) dst(%dma_wait3A_79 : memref<10240x64xf32, #tpu.memory_space<vmem_shared>>)
    %dma_wait3A_80 = arith.constant 3 : i32
    %dma_wait3A_81 = arith.constant 155 : i32
    %dma_wait3A_82 = arith.constant 1 : i32
    %dma_wait3A_83 = arith.constant 0 : i32
    %dma_wait3A_84 = arith.constant 0 : i32
    %dma_wait3A_85 = tpu.memref_slice %arg6[%dma_wait3A_80, %dma_wait3A_83, %dma_wait3A_84] : memref<4x128x64xf32, #tpu.memory_space<vmem>> -> memref<1x128x64xf32, #tpu.memory_space<vmem>>
    %dma_wait3A_86 = tpu.memref_squeeze %dma_wait3A_85 : memref<1x128x64xf32, #tpu.memory_space<vmem>> -> memref<128x64xf32, #tpu.memory_space<vmem>>
    %dma_wait3A_87 = arith.constant 0 : i32
    %dma_wait3A_88 = tpu.memref_slice %arg5[%dma_wait3A_81, %dma_wait3A_82, %dma_wait3A_87] : memref<157x2x128xi32, #tpu.memory_space<vmem>> -> memref<1x1x128xi32, #tpu.memory_space<vmem>>
    %dma_wait3A_89 = tpu.memref_squeeze %dma_wait3A_88 : memref<1x1x128xi32, #tpu.memory_space<vmem>> -> memref<128xi32, #tpu.memory_space<vmem>>
    %dma_wait3A_90 = arith.constant 0 : i32
    %dma_wait3A_91 = arith.constant 0 : i32
    %dma_wait3A_92 = tpu.memref_slice %arg7[%dma_wait3A_90, %dma_wait3A_91] : memref<10240x64xf32, #tpu.memory_space<vmem_shared>> -> memref<10240x64xf32, #tpu.memory_space<vmem_shared>>
    tpu.wait_indirect_dma semaphore(%arg15 : memref<!tpu.dma_semaphore, #tpu.memory_space<semaphore_mem>>) src(%dma_wait3A_86 : memref<128x64xf32, #tpu.memory_space<vmem>>) dst(%dma_wait3A_92 : memref<10240x64xf32, #tpu.memory_space<vmem_shared>>)
    %dma_wait3A_93 = arith.constant 0 : i32
    %dma_wait3A_94 = arith.constant 156 : i32
    %dma_wait3A_95 = arith.constant 1 : i32
    %dma_wait3A_96 = arith.constant 0 : i32
    %dma_wait3A_97 = arith.constant 0 : i32
    %dma_wait3A_98 = tpu.memref_slice %arg6[%dma_wait3A_93, %dma_wait3A_96, %dma_wait3A_97] : memref<4x128x64xf32, #tpu.memory_space<vmem>> -> memref<1x128x64xf32, #tpu.memory_space<vmem>>
    %dma_wait3A_99 = tpu.memref_squeeze %dma_wait3A_98 : memref<1x128x64xf32, #tpu.memory_space<vmem>> -> memref<128x64xf32, #tpu.memory_space<vmem>>
    %dma_wait3A_100 = arith.constant 0 : i32
    %dma_wait3A_101 = tpu.memref_slice %arg5[%dma_wait3A_94, %dma_wait3A_95, %dma_wait3A_100] : memref<157x2x128xi32, #tpu.memory_space<vmem>> -> memref<1x1x128xi32, #tpu.memory_space<vmem>>
    %dma_wait3A_102 = tpu.memref_squeeze %dma_wait3A_101 : memref<1x1x128xi32, #tpu.memory_space<vmem>> -> memref<128xi32, #tpu.memory_space<vmem>>
    %dma_wait3A_103 = arith.constant 0 : i32
    %dma_wait3A_104 = arith.constant 0 : i32
    %dma_wait3A_105 = tpu.memref_slice %arg7[%dma_wait3A_103, %dma_wait3A_104] : memref<10240x64xf32, #tpu.memory_space<vmem_shared>> -> memref<10240x64xf32, #tpu.memory_space<vmem_shared>>
    tpu.wait_indirect_dma semaphore(%arg12 : memref<!tpu.dma_semaphore, #tpu.memory_space<semaphore_mem>>) src(%dma_wait3A_99 : memref<128x64xf32, #tpu.memory_space<vmem>>) dst(%dma_wait3A_105 : memref<10240x64xf32, #tpu.memory_space<vmem_shared>>)
    %barrier3A_106 = arith.constant 0 : index
    tpu.barrier barrier_id(%barrier3A_106)
    "tpu.region"() ({
      %run_scoped3A = tpu.sem_alloc : memref<!tpu.dma_semaphore, #tpu.memory_space<semaphore_mem>>
      %dma_start3A_107 = arith.constant 0 : i32
      %dma_start3A_108 = tpu.memref_slice %arg4[%arg0, %mul3A_0, %dma_start3A_107] : memref<2x10240x64xf32, #tpu.memory_space<hbm>> -> memref<1x640x64xf32, #tpu.memory_space<hbm>>
      %dma_start3A_109 = tpu.memref_squeeze %dma_start3A_108 : memref<1x640x64xf32, #tpu.memory_space<hbm>> -> memref<640x64xf32, #tpu.memory_space<hbm>>
      %dma_start3A_110 = arith.constant 0 : i32
      %dma_start3A_111 = tpu.memref_slice %arg7[%mul3A_0, %dma_start3A_110] : memref<10240x64xf32, #tpu.memory_space<vmem_shared>> -> memref<640x64xf32, #tpu.memory_space<vmem_shared>>
      tpu.enqueue_dma source(%dma_start3A_111 : memref<640x64xf32, #tpu.memory_space<vmem_shared>>) target(%dma_start3A_109 : memref<640x64xf32, #tpu.memory_space<hbm>>) target_semaphore(%run_scoped3A : memref<!tpu.dma_semaphore, #tpu.memory_space<semaphore_mem>>)
      %dma_wait3A_112 = arith.constant 0 : i32
      %dma_wait3A_113 = tpu.memref_slice %arg4[%arg0, %mul3A_0, %dma_wait3A_112] : memref<2x10240x64xf32, #tpu.memory_space<hbm>> -> memref<1x640x64xf32, #tpu.memory_space<hbm>>
      %dma_wait3A_114 = tpu.memref_squeeze %dma_wait3A_113 : memref<1x640x64xf32, #tpu.memory_space<hbm>> -> memref<640x64xf32, #tpu.memory_space<hbm>>
      %dma_wait3A_115 = arith.constant 0 : i32
      %dma_wait3A_116 = tpu.memref_slice %arg7[%mul3A_0, %dma_wait3A_115] : memref<10240x64xf32, #tpu.memory_space<vmem_shared>> -> memref<640x64xf32, #tpu.memory_space<vmem_shared>>
      tpu.wait_dma2 semaphore(%run_scoped3A : memref<!tpu.dma_semaphore, #tpu.memory_space<semaphore_mem>>) src(%dma_wait3A_116 : memref<640x64xf32, #tpu.memory_space<vmem_shared>>) dst(%dma_wait3A_114 : memref<640x64xf32, #tpu.memory_space<hbm>>)
      tpu.yield
    }) : () -> ()
    return
  }
}

module attributes {stable_mosaic.version = 14 : i64} {
  func.func @_matmul_body(%arg0: i32, %arg1: i32, %arg2: memref<512x128xf32, #tpu.memory_space<vmem>>, %arg3: memref<1x128x64xf32, #tpu.memory_space<vmem>>, %arg4: memref<2x512x8xf32, #tpu.memory_space<vmem>>, %arg5: memref<1x512x64xf32, #tpu.memory_space<vmem>>, %arg6: memref<512x1xf32, #tpu.memory_space<vmem>>) attributes {dimension_semantics = [#tpu.dimension_semantics<arbitrary>, #tpu.dimension_semantics<arbitrary>], iteration_bounds = array<i64: 20, 2>, scalar_prefetch = 0 : i64, scratch_operands = 0 : i64, tpu.core_type = #tpu.core_type<tc>, window_params = [{transform_indices = @transform_0, window_bounds = array<i64: 512, 128>}, {transform_indices = @transform_1, window_bounds = array<i64: 1, 128, 64>}, {transform_indices = @transform_2, window_bounds = array<i64: 2, 512, 8>}, {transform_indices = @transform_3, window_bounds = array<i64: 1, 512, 64>}, {transform_indices = @transform_4, window_bounds = array<i64: 512, 1>}]} {
    %get3A = arith.constant 0 : index
    %get3A_0 = arith.constant 0 : index
    %get3A_1 = arith.constant 0 : index
    %get3A_2 = vector.load %arg4[%get3A, %get3A_0, %get3A_1] : memref<2x512x8xf32, #tpu.memory_space<vmem>>, vector<1x512x1xf32>
    %get3A_3 = vector.shape_cast %get3A_2 : vector<1x512x1xf32> to vector<512x1xf32>
    %get3A_4 = arith.constant 1 : index
    %get3A_5 = arith.constant 0 : index
    %get3A_6 = arith.constant 0 : index
    %get3A_7 = vector.load %arg4[%get3A_4, %get3A_5, %get3A_6] : memref<2x512x8xf32, #tpu.memory_space<vmem>>, vector<1x512x1xf32>
    %get3A_8 = vector.shape_cast %get3A_7 : vector<1x512x1xf32> to vector<512x1xf32>
    %add3A = arith.addf %get3A_3, %get3A_8 : vector<512x1xf32>
    %add3A_9 = arith.constant 1.000000e+00 : f32
    %add3A_10 = vector.broadcast %add3A_9 : f32 to vector<512x1xf32>
    %add3A_11 = arith.addf %add3A, %add3A_10 : vector<512x1xf32>
    %rsqrt3A = math.rsqrt %add3A_11 : vector<512x1xf32>
    %get3A_12 = arith.constant 0 : index
    %get3A_13 = arith.constant 0 : index
    %get3A_14 = vector.load %arg2[%get3A_12, %get3A_13] : memref<512x128xf32, #tpu.memory_space<vmem>>, vector<512x128xf32>
    %get3A_15 = arith.constant 0 : index
    %get3A_16 = arith.constant 0 : index
    %get3A_17 = arith.constant 0 : index
    %get3A_18 = vector.load %arg3[%get3A_15, %get3A_16, %get3A_17] : memref<1x128x64xf32, #tpu.memory_space<vmem>>, vector<1x128x64xf32>
    %get3A_19 = vector.shape_cast %get3A_18 : vector<1x128x64xf32> to vector<128x64xf32>
    %dot_general3A = arith.constant dense<0.000000e+00> : vector<512x64xf32>
    %dot_general3A_20 = tpu.matmul %get3A_14, %get3A_19, %dot_general3A {dimension_numbers = #tpu.dot_dimension_numbers<[1], [0], [0], [1], [0, 0, 1, 1], [], []>, transpose_lhs_hint = false} : vector<512x128xf32>, vector<128x64xf32>, vector<512x64xf32> -> vector<512x64xf32>
    %mul3A = vector.broadcast %rsqrt3A : vector<512x1xf32> to vector<512x64xf32>
    %mul3A_21 = arith.mulf %dot_general3A_20, %mul3A : vector<512x64xf32>
    %swap3A = arith.constant 0 : index
    %swap3A_22 = arith.constant 0 : index
    %swap3A_23 = arith.constant 0 : index
    %swap3A_24 = vector.load %arg5[%swap3A, %swap3A_22, %swap3A_23] : memref<1x512x64xf32, #tpu.memory_space<vmem>>, vector<1x512x64xf32>
    %swap3A_25 = vector.shape_cast %swap3A_24 : vector<1x512x64xf32> to vector<512x64xf32>
    %swap3A_26 = vector.shape_cast %mul3A_21 : vector<512x64xf32> to vector<1x512x64xf32>
    tpu.vector_store %arg5[%swap3A, %swap3A_22, %swap3A_23], %swap3A_26 {strides = array<i32>} : memref<1x512x64xf32, #tpu.memory_space<vmem>>, vector<1x512x64xf32>,
    %swap3A_27 = arith.constant 0 : index
    %swap3A_28 = arith.constant 0 : index
    %swap3A_29 = vector.load %arg6[%swap3A_27, %swap3A_28] : memref<512x1xf32, #tpu.memory_space<vmem>>, vector<512x1xf32>
    tpu.vector_store %arg6[%swap3A_27, %swap3A_28], %rsqrt3A {strides = array<i32>} : memref<512x1xf32, #tpu.memory_space<vmem>>, vector<512x1xf32>,
    return
  }
  func.func @transform_0(%arg0: i32, %arg1: i32) -> (i32, i32) {
    %c0_i32 = arith.constant 0 : i32
    %c0_i32_0 = arith.constant 0 : i32
    return %arg0, %c0_i32 : i32, i32
  }
  func.func @transform_1(%arg0: i32, %arg1: i32) -> (i32, i32, i32) {
    %c0_i32 = arith.constant 0 : i32
    %c0_i32_0 = arith.constant 0 : i32
    %c0_i32_1 = arith.constant 0 : i32
    return %arg1, %c0_i32, %c0_i32_0 : i32, i32, i32
  }
  func.func @transform_2(%arg0: i32, %arg1: i32) -> (i32, i32, i32) {
    %c0_i32 = arith.constant 0 : i32
    %c0_i32_0 = arith.constant 0 : i32
    %c0_i32_1 = arith.constant 0 : i32
    return %c0_i32, %arg0, %c0_i32_0 : i32, i32, i32
  }
  func.func @transform_3(%arg0: i32, %arg1: i32) -> (i32, i32, i32) {
    %c0_i32 = arith.constant 0 : i32
    %c0_i32_0 = arith.constant 0 : i32
    return %arg1, %arg0, %c0_i32 : i32, i32, i32
  }
  func.func @transform_4(%arg0: i32, %arg1: i32) -> (i32, i32) {
    %c0_i32 = arith.constant 0 : i32
    %c0_i32_0 = arith.constant 0 : i32
    return %arg0, %c0_i32 : i32, i32
  }
}

module attributes {stable_mosaic.version = 14 : i64} {
  func.func @_final_body(%arg0: i32, %arg1: memref<2x400x64xf32, #tpu.memory_space<vmem>>, %arg2: memref<400x1xf32, #tpu.memory_space<vmem>>, %arg3: memref<1x128xf32, #tpu.memory_space<vmem>>, %arg4: memref<400x128xf32, #tpu.memory_space<vmem>>) attributes {dimension_semantics = [#tpu.dimension_semantics<arbitrary>], iteration_bounds = array<i64: 25>, scalar_prefetch = 0 : i64, scratch_operands = 0 : i64, tpu.core_type = #tpu.core_type<tc>, window_params = [{transform_indices = @transform_0, window_bounds = array<i64: 2, 400, 64>}, {transform_indices = @transform_1, window_bounds = array<i64: 400, 1>}, {pipeline_mode = #tpu.pipeline_mode<synchronous>, transform_indices = @transform_2, window_bounds = array<i64: 1, 128>}, {transform_indices = @transform_3, window_bounds = array<i64: 400, 128>}]} {
    %get3A = arith.constant 0 : index
    %get3A_0 = arith.constant 0 : index
    %get3A_1 = arith.constant 0 : index
    %get3A_2 = vector.load %arg1[%get3A, %get3A_0, %get3A_1] : memref<2x400x64xf32, #tpu.memory_space<vmem>>, vector<1x400x64xf32>
    %get3A_3 = vector.shape_cast %get3A_2 : vector<1x400x64xf32> to vector<400x64xf32>
    %get3A_4 = arith.constant 1 : index
    %get3A_5 = arith.constant 0 : index
    %get3A_6 = arith.constant 0 : index
    %get3A_7 = vector.load %arg1[%get3A_4, %get3A_5, %get3A_6] : memref<2x400x64xf32, #tpu.memory_space<vmem>>, vector<1x400x64xf32>
    %get3A_8 = vector.shape_cast %get3A_7 : vector<1x400x64xf32> to vector<400x64xf32>
    %concatenate3A = tpu.concatenate %get3A_3, %get3A_8 in 1 : vector<400x64xf32>, vector<400x64xf32> -> vector<400x128xf32>
    %get3A_9 = arith.constant 0 : index
    %get3A_10 = arith.constant 0 : index
    %get3A_11 = vector.load %arg2[%get3A_9, %get3A_10] : memref<400x1xf32, #tpu.memory_space<vmem>>, vector<400x1xf32>
    %mul3A = vector.broadcast %get3A_11 : vector<400x1xf32> to vector<400x128xf32>
    %mul3A_12 = arith.mulf %concatenate3A, %mul3A : vector<400x128xf32>
    %get3A_13 = arith.constant 0 : index
    %get3A_14 = arith.constant 0 : index
    %get3A_15 = vector.load %arg3[%get3A_13, %get3A_14] : memref<1x128xf32, #tpu.memory_space<vmem>>, vector<1x128xf32>
    %add3A = vector.broadcast %get3A_15 : vector<1x128xf32> to vector<400x128xf32>
    %add3A_16 = arith.addf %mul3A_12, %add3A : vector<400x128xf32>
    %swap3A = arith.constant 0 : index
    %swap3A_17 = arith.constant 0 : index
    %swap3A_18 = vector.load %arg4[%swap3A, %swap3A_17] : memref<400x128xf32, #tpu.memory_space<vmem>>, vector<400x128xf32>
    tpu.vector_store %arg4[%swap3A, %swap3A_17], %add3A_16 {strides = array<i32>} : memref<400x128xf32, #tpu.memory_space<vmem>>, vector<400x128xf32>,
    return
  }
  func.func @transform_0(%arg0: i32) -> (i32, i32, i32) {
    %c0_i32 = arith.constant 0 : i32
    %c0_i32_0 = arith.constant 0 : i32
    %c0_i32_1 = arith.constant 0 : i32
    return %c0_i32, %arg0, %c0_i32_0 : i32, i32, i32
  }
  func.func @transform_1(%arg0: i32) -> (i32, i32) {
    %c0_i32 = arith.constant 0 : i32
    %c0_i32_0 = arith.constant 0 : i32
    return %arg0, %c0_i32 : i32, i32
  }
  func.func @transform_2(%arg0: i32) -> (i32, i32) {
    %c0_i32 = arith.constant 0 : i32
    %c0_i32_0 = arith.constant 0 : i32
    %c0_i32_1 = arith.constant 0 : i32
    return %c0_i32, %c0_i32_0 : i32, i32
  }
  func.func @transform_3(%arg0: i32) -> (i32, i32) {
    %c0_i32 = arith.constant 0 : i32
    %c0_i32_0 = arith.constant 0 : i32
    return %arg0, %c0_i32 : i32, i32
  }
}

</mosaic_0001>

<sc_bundles>
// kernel: kernel.6.cloned.1.call-start
scs
__scs_entry_jumppad:
0x0: {  	(pc) =	sbr.rel $0x88, $3  }
0x1: {  	(tag) =	ssettag $0x0;
	lr =	simm.s32 $0x1  }
0x2: {  	[smem:$0x3F9D] =	sst lr;
	_ =	strace $0xD0000000  }
0x3: {  	_ = 	snop  }
0x4: {  	_ = 	snop  }
0x5: {  	_ = 	snop  }
0x6: {  	_ = 	snop  }
0x7: {  	_ = 	snop  }
__scs_overlays_trampoline_lowered:
0x8: {  	[smem:$0x3FAC] =	sst s0  }
0x9: {  	[smem:$0x3FAD] =	sst s1  }
0xa: {  	[smem:$0x3FAE] =	sst s2  }
0xb: {  	[smem:$0x3FAF] =	sst s3  }
0xc: {  	[smem:$0x3FB0] =	sst s4  }
0xd: {  	[smem:$0x3FB1] =	sst s5  }
0xe: {  	[smem:$0x3FB2] =	sst s6  }
0xf: {  	[smem:$0x3FB3] =	sst s7  }
0x10: {  	[smem:$0x3FB4] =	sst s8  }
0x11: {  	[smem:$0x3FB5] =	sst s9;
	s0 =	simm.s32 @!p0 $0x0  }
0x12: {  	s1 =	sld [smem:$0x3F9B];
	s0 =	simm.s32 @p0 $0x1  }
0x13: {  	[smem:$0x3FB6] =	sst s0;
	s0 =	simm.s32 @!p1 $0x0  }
0x14: {  	s2 =	sld [smem:$0x3F9A];
	s0 =	simm.s32 @p1 $0x1  }
0x15: {  	[smem:$0x3FB7] =	sst s0;
	s0 =	simm.s32 @!p2 $0x0  }
0x16: {  	s3 =	sld [smem:$0x3FDB];
	s0 =	simm.s32 @p2 $0x1  }
0x17: {  	s4 =	simm.s32 $0x1BF5;
	[smem:$0x3FB9] =	sst s0  }
0x18: {  	s0 =	sld [smem:$0x3F9C];
	_ =	swait.ge [sflag:s4], $0x0  }
0x19: {  	s7 =	sld [smem:$0x3F9D]  }
0x1a: {  	s8 =	sadd.s32 $0xFFFFE003, lr  }
0x1b: {  	s9 =	sadd.s32 $0xFFFFFEF7, lr;
	s5 =	simm.s32 $0xFFFFFFFF;
	p2 =	slt.u32 s8, $0xFFFFF086  }
0x1c: {  	p1 =	slt.u32 s9, $0xF7A;
	s5 =	simm.s32 @!p2 $0x0  }
0x1d: {  	s5 =	simm.s32 @p1 $0x1;
	p0 =	seq.s32 s7, s2  }
0x1e: {  	s7 =	smul.u32 @!p0 $0xF7A, s2;
	p2 =	seq.s32 @!p0 s5, $0x0  }
0x1f: {  	s9 =	smul.u32 $0xF7A, s1;
	s8 =	simm.s32 @!p0 $0x1BF5;
	p2 =	por !p2, p0  }
0x20: {  	[sflag:s8] =	ssyncset.s32 @!p0 $0xFFFFF086;
	s6 =	sadd.s32 @!p0 s3, s7;
	s7 =	simm.s32 @!p0 $0x108  }
0x21: {  	s3 =	sadd.s32 s3, s9;
	s6 =	sadd.s32 @!p0 $0x88, s6;
	s7 =	simm.s32 @p2 $0x1082  }
0x22: {  	[simem:s7], [sflag:s8] =	dma.local @!p0 [hbm:s6], $0xF7A  }
0x23: {  	s9 =	sor.u32 $0xD0000000, s2;
	s6 =	simm.s32 $0x108;
	_ =	swait.ge @!p0 [sflag:s8], $0x0  }
0x24: {  	s3 =	sadd.s32 $0x88, s3;
	s6 =	simm.s32 @!p1 $0x1082;
	[sflag:s4] =	ssyncset.s32 $0xFFFFF086  }
0x25: {  	[simem:s6], [sflag:s4] =	dma.local [hbm:s3], $0xF7A  }
0x26: {  	[smem:$0x3F9D] =	sst s1;
	(tag) =	ssettag s2;
	_ =	strace s9  }
0x27: {  	s1 =	sld [smem:$0x3FAD]  }
0x28: {  	s2 =	sld [smem:$0x3FAE]  }
0x29: {  	s4 =	sld [smem:$0x3FB0]  }
0x2a: {  	p0 =	seq.s32 s5, $0x0;
	s5 =	sld [smem:$0x3FB1]  }
0x2b: {  	s6 =	sld [smem:$0x3FB2]  }
0x2c: {  	s7 =	sld [smem:$0x3FB3]  }
0x2d: {  	s3 =	simm.s32 $0x108;
	s8 =	sld [smem:$0x3FB4]  }
0x2e: {  	s3 =	simm.s32 @!p0 $0x1082;
	s9 =	sld [smem:$0x3FB5]  }
0x2f: {  	lr =	sadd.s32 s0, s3;
	s0 =	sld [smem:$0x3FAC]  }
0x30: {  	s3 =	sld [smem:$0x3FAF]  }
0x31: {  	[smem:$0x3FB8] =	sst s10  }
0x32: {  	s10 =	sld [smem:$0x3FB6];
	_ =	sdelay $0x3  }
0x33: {  	p0 =	seq.s32 s10, $0x1;
	s10 =	sld [smem:$0x3FB8];
	_ =	sdelay $0x3  }
0x34: {  	[smem:$0x3FB8] =	sst s10  }
0x35: {  	s10 =	sld [smem:$0x3FB7];
	_ =	sdelay $0x3  }
0x36: {  	p1 =	seq.s32 s10, $0x1;
	s10 =	sld [smem:$0x3FB8];
	_ =	sdelay $0x3  }
0x37: {  	[smem:$0x3FB8] =	sst s10  }
0x38: {  	s10 =	sld [smem:$0x3FB9]  }
0x39: {  	_ = 	snop;
	(pc) =	sbr.ind lr, $3  }
0x3a: {  	_ = 	snop  }
0x3b: {  	_ = 	snop  }
0x3c: {  	p2 =	seq.s32 s10, $0x1;
	s10 =	sld [smem:$0x3FB8]  }
0x3d: {  	_ =	shalt  }
0x3e: {  	_ =	shalt  }
0x3f: {  	_ =	shalt  }
0x40: {  	_ =	shalt  }
0x41: {  	_ =	shalt  }
0x42: {  	_ =	shalt  }
0x43: {  	_ =	shalt  }
0x44: {  	_ =	shalt  }
0x45: {  	_ =	shalt  }
0x46: {  	_ =	shalt  }
0x47: {  	_ =	shalt  }
0x48: {  	_ =	shalt  }
0x49: {  	_ =	shalt  }
0x4a: {  	_ =	shalt  }
0x4b: {  	_ =	shalt  }
0x4c: {  	_ =	shalt  }
0x4d: {  	_ =	shalt  }
0x4e: {  	_ =	shalt  }
0x4f: {  	_ =	shalt  }
0x50: {  	_ =	shalt  }
0x51: {  	_ =	shalt  }
0x52: {  	_ =	shalt  }
0x53: {  	_ =	shalt  }
0x54: {  	_ =	shalt  }
0x55: {  	_ =	shalt  }
0x56: {  	_ =	shalt  }
0x57: {  	_ =	shalt  }
0x58: {  	_ =	shalt  }
0x59: {  	_ =	shalt  }
0x5a: {  	_ =	shalt  }
0x5b: {  	_ =	shalt  }
0x5c: {  	_ =	shalt  }
0x5d: {  	_ =	shalt  }
0x5e: {  	_ =	shalt  }
0x5f: {  	_ =	shalt  }
0x60: {  	_ =	shalt  }
0x61: {  	_ =	shalt  }
0x62: {  	_ =	shalt  }
0x63: {  	_ =	shalt  }
0x64: {  	_ =	shalt  }
0x65: {  	_ =	shalt  }
0x66: {  	_ =	shalt  }
0x67: {  	_ =	shalt  }
0x68: {  	_ =	shalt  }
0x69: {  	_ =	shalt  }
0x6a: {  	_ =	shalt  }
0x6b: {  	_ =	shalt  }
0x6c: {  	_ =	shalt  }
0x6d: {  	_ =	shalt  }
0x6e: {  	_ =	shalt  }
0x6f: {  	_ =	shalt  }
0x70: {  	_ =	shalt  }
0x71: {  	_ =	shalt  }
0x72: {  	_ =	shalt  }
0x73: {  	_ =	shalt  }
0x74: {  	_ =	shalt  }
0x75: {  	_ =	shalt  }
0x76: {  	_ =	shalt  }
0x77: {  	_ =	shalt  }
0x78: {  	_ =	shalt  }
0x79: {  	_ =	shalt  }
0x7a: {  	_ =	shalt  }
0x7b: {  	_ =	shalt  }
0x7c: {  	_ =	shalt  }
0x7d: {  	_ =	shalt  }
0x7e: {  	_ =	shalt  }
0x7f: {  	_ =	shalt  }
0x80: {  	_ =	shalt  }
0x81: {  	_ =	shalt  }
0x82: {  	_ =	shalt  }
0x83: {  	_ =	shalt  }
0x84: {  	_ =	shalt  }
0x85: {  	_ =	shalt  }
0x86: {  	_ =	shalt  }
0x87: {  	_ =	shalt  }
.Lfunc_end0:
.L_simem_size_0:
called_computation_lowered:
.L_overlay_start_0:
0x88: {  	s2 =	sld [smem:$0x3FD9]  }
0x89: {  	s3 =	sld [smem:$0x3FFE];
	_ =	sdelay $0x1  }
0x8a: {  	s1 =	srdreg.scid  }
0x8b: {  	s0 =	sand.u32 $0x1, s1  }
0x8c: {  	s16 =	sshll.u32 s0, $0xA;
	s2 =	sadd.s32 s3, s2  }
0x8d: {  	s2 =	sadd.s32 s2, s16  }
0x8e: {  	[smem:$0x3FC4] =	sst s2  }
0x8f: {  	_ = 	snop  }
0x90: {  	(tm) =	ssettm $0x1  }
0x91: {  	s17 =	sld [smem:$0x3FFB];
	_ =	sdelay $0x3  }
0x92: {  	_ =	strace s17  }
0x93: {  	s2 =	sld [smem:$0x3FFC];
	_ =	sdelay $0x3  }
0x94: {  	_ =	strace s2  }
0x95: {  	s2 =	sld [smem:$0x3FFD];
	_ =	sdelay $0x3  }
0x96: {  	_ =	strace s2  }
0x97: {  	_ =	strace $0x8FFFFFFF  }
0x98: {  	s18 =	sld [smem:$0x3FDB];
	_ =	sdelay $0x1  }
0x99: {  	s19 =	simm.s32 $_scs_section_size  }
0x9a: {  	s4 =	simm.s32 $_size__tile_overlayer_lowered;
	s5 =	simm.s32 $_tile_overlayer_lowered  }
0x9b: {  	s22 =	simm.s32 $0x1BFF;
	s21 =	sshll.u32 s5, $0x1;
	s2 =	sadd.s32 s19, s18  }
0x9c: {  	s6 =	simm.s32 $0x0;
	s20 =	sshll.u32 s4, $0x1;
	s4 =	sadd.s32 s21, s2  }
0x9d: {  	[timem:s6], [sflag:s22] =	dma.local [hbm:s4], s20  }
0x9e: {  	_ =	swait.ge [sflag:s22], s20  }
0x9f: {  	s3 =	ssub.s32 $0x0, s20;
	[sflag:s22] =	ssyncset.done $0x0  }
0xa0: {  	[sflag:s22] =	ssyncadd.s32 s3;
	_ =	sdelay $0x1  }
0xa1: {  	s23 =	simm.s32 $0x1B8B  }
0xa2: {  	_ =	swait.ge [sflag:s23], $0x1  }
0xa3: {  	[sflag:s23] =	ssyncset.done $0x0  }
0xa4: {  	s25 =	simm.s32 $0x1B8E;
	s24 =	sld [smem:$0x3FFE];
	[sflag:s23] =	ssyncadd.s32 $0xFFFFFFFF  }
0xa5: {  	s26 =	simm.s32 $execute0_lowered;
	[smem:$0x3FD2] =	sst s25  }
0xa6: {  	s4 =	sshll.u32 s26, $0x1;
	_ =	strace $0x80000046;
	[dreg:$0x1] =	wrdreg $0xFFFFFFFF  }
0xa7: {  	s28 =	simm.s32 $_size_execute0_lowered;
	s2 =	sadd.s32 s2, s4;
	[dreg:$0x0] =	wrdreg $0x0  }
0xa8: {  	s4 =	sshll.u32 s28, $0x1;
	[dreg:$0x2] =	wrdreg s2  }
0xa9: {  	[dreg:$0x3] =	wrdreg s4  }
0xaa: {  	[dreg:$0x4] =	wrdreg $0xC0  }
0xab: {  	_ =	task [dreg:s6], $0x5FFFF  }
0xac: {  	[dreg:$0x1] =	wrdreg $0xFFFFFFFF  }
0xad: {  	[dreg:$0x0] =	wrdreg $0x60  }
0xae: {  	[dreg:$0x2] =	wrdreg s24  }
0xaf: {  	[dreg:$0x3] =	wrdreg $0x3F800  }
0xb0: {  	[dreg:$0x4] =	wrdreg $0x9  }
0xb1: {  	_ =	task.clear_ibuf [dreg:s6], $0x5FFFF;
	_ =	strace $0x90000046  }
0xb2: {  	s29 =	simm.s32 $0x9;
	_ =	strace $0x80000048  }
0xb3: {  	_ =	swait.ge [sflag:s29], $0x1  }
0xb4: {  	[sflag:s29] =	ssyncadd.s32 $0xFFFFFFFF  }
0xb5: {  	_ =	strace $0x90000048  }
0xb6: {  	_ =	sfence  }
0xb7: {  	s30 =	sld [smem:$0x0];
	_ =	sdelay $0x2  }
0xb8: {  	s31 =	sshll.u32 s1, $0xD;
	s1 =	sshrl.u32 s1, $0x2  }
0xb9: {  	s3 =	sand.u32 $0x4000, s31;
	s1 =	sadd.s32 s1, s30  }
0xba: {  	s0 =	sor.u32 s3, s0;
	s1 =	sshll.u32 s1, $0x11  }
0xbb: {  	s0 =	sor.u32 s1, s0  }
0xbc: {  	s0 =	sadd.s32 $0x8F2B, s0  }
0xbd: {  	[sflag:s0] =	ssyncadd.remote.s32 $0x1  }
0xbe: {  	_ =	sfence.sel $0xFFFF  }
0xbf: {  	[dreg:$0x0] =	wrdreg $0xFFFFFFFF;
	(pc) =	sbr.abs _section_cstart, $3  }
0xc0: {  	[dreg:$0x1] =	wrdreg $0xFFFFFFFF  }
0xc1: {  	_ =	task.clear_ibuf [dreg:s6], $0x2FFFF;
	_ =	strace $0x9FFFFFFF  }
0xc2: {  	(tm) =	ssettm $0x7FFFFFFF  }
0xc3: {  	_ =	shalt  }
tec
execute0_lowered:
.L_overlay_start_1:
0x0: {  	(tag) =	ssettag $0x1  }
0x1: {  	s0 =	srdreg.scid  }
0x2: {  	s31 =	stileid.u32;
	s6 =	rddreg [dreg:$0x0]  }
0x3: {  	s2 =	rddreg [dreg:$0x1];
	s3 =	simm.s32 $0x0;
	s12 =	simm.s32 $0x80  }
0x4: {  	s13 =	simm.s32 $0x100;
	s14 =	simm.s32 $0x180;
	s15 =	simm.s32 $0x200  }
0x5: {  	s16 =	simm.s32 $0x280;
	s17 =	simm.s32 $0x1;
	s18 =	simm.s32 $0x2  }
0x6: {  	s19 =	simm.s32 $0x3;
	s20 =	simm.s32 $0x4;
	s21 =	simm.s32 $0x5  }
0x7: {  	s22 =	simm.s32 $0x6;
	s25 =	simm.s32 $0x7;
	s26 =	simm.s32 $0x0  }
0x8: {  	s5 =	sand.u32 $0x1, s0;
	s7 =	smul.u32 $0x1400, s31;
	[smem:$0x7FF] =	sst s3  }
0x9: {  	s23 =	sshll.u32 s31, $0x6;
	s1 =	sshll.u32 s5, $0x4;
	s8 =	smul.u32 $0x14000, s5  }
0xa: {  	_ =	strace $0x80000047;
	s10 =	ssub.s32 $0x2, s5;
	s1 =	sor.u32 s31, s1  }
0xb: {  	s5 =	sadd.s32 $0xAE00, s6;
	s23 =	sor.u32 $0x1C07, s23;
	s4 =	smul.u32 $0x4F0, s1  }
.Ltmp0:
0xc: {  	s11 =	sshrl.u32 s10, $0x1;
	s8 =	sadd.s32 s7, s8;
	(pc) =	sbr.rel .LBB2_1-.Ltmp0, $4  }
0xd: {  	s10 =	ssub.s32 s10, s11;
	s7 =	sadd.s32 s7, s2;
	s11 =	simm.s32 $0x2B80  }
0xe: {  	s8 =	sshrl.u32 s8, $0x3;
	s24 =	sshrl.u32 s7, $0x3;
	s9 =	sadd.s32 s4, s6  }
0xf: {  	s4 =	sadd.s32 $0xB200, s6;
	s8 =	sadd.s32 s8, s6;
	s6 =	sadd.s32 $0x1000, s9  }
0x10: {  	s8 =	sadd.s32 $0xB400, s8;
	s9 =	smax.u32 s10, $0x1;
	s10 =	simm.s32 $0x2780  }
.LBB2_4:
0x11: {  	_ =	swait.ge [sflag:s18], $0x400  }
0x12: {  	[sflag:s18] =	ssyncset.done $0x0  }
0x13: {  	[sflag:s18] =	ssyncadd.s32 $0xFFFFFC00  }
0x14: {  	_ =	swait.ge [sflag:s19], $0x400  }
0x15: {  	[sflag:s19] =	ssyncset.done $0x0  }
0x16: {  	[sflag:s19] =	ssyncadd.s32 $0xFFFFFC00  }
0x17: {  	_ =	swait.ge [sflag:s20], $0x400  }
0x18: {  	[sflag:s20] =	ssyncset.done $0x0  }
0x19: {  	[sflag:s20] =	ssyncadd.s32 $0xFFFFFC00  }
0x1a: {  	_ =	swait.ge [sflag:s21], $0x400  }
0x1b: {  	[sflag:s21] =	ssyncset.done $0x0  }
0x1c: {  	[sflag:s21] =	ssyncadd.s32 $0xFFFFFC00  }
0x1d: {  	_ =	swait.ge [sflag:s22], $0x400  }
0x1e: {  	[sflag:s22] =	ssyncset.done $0x0  }
0x1f: {  	[sflag:s22] =	ssyncadd.s32 $0xFFFFFC00  }
0x20: {  	_ =	swait.ge [sflag:s17], $0x400  }
0x21: {  	s26 =	sadd.s32 $0x1, s26;
	[sflag:s17] =	ssyncset.done $0x0  }
0x22: {  	p0 =	sne.s32 s26, s9;
	[sflag:s17] =	ssyncadd.s32 $0xFFFFFC00  }
.Ltmp1:
0x23: {  	[bflag:$0x0] =	sbarrier.arrive $0xFFFF;
	(pc) =	sbr.rel @!p0 .LBB2_5-.Ltmp1, $4  }
0x24: {  	[hbm:s8], [sflag:s23] =	dma.local [spmem:s24], $0x280  }
0x25: {  	_ =	swait.ge [sflag:s25], $0x280  }
0x26: {  	[sflag:s25] =	ssyncset.done $0x0  }
0x27: {  	[sflag:s25] =	ssyncadd.s32 $0xFFFFFD80  }
.LBB2_1:
0x28: {  	[tilespmem:s3], [sflag:$0x7] =	stream.linear.gather [hbm4b:s6+s3], $0x2780, $0x38;
	[tilespmem:$0x5380] =	vst v63  }
0x29: {  	_ =	swait.ge [sflag:s25], $0x2780  }
0x2a: {  	[sflag:s25] =	ssyncset.done $0x0  }
0x2b: {  	[sflag:s25] =	ssyncadd.s32 $0xFFFFD880  }
0x2c: {  	[tilespmem:s10], [sflag:$0x7] =	stream.linear.gather [hbm4b:s4+s3], $0x400, $0x38;
	[tilespmem:$0x5380] =	vst v63  }
0x2d: {  	_ =	swait.ge [sflag:s25], $0x400  }
0x2e: {  	[sflag:s25] =	ssyncset.done $0x0  }
0x2f: {  	[sflag:s25] =	ssyncadd.s32 $0xFFFFFC00  }
0x30: {  	[tilespmem:s11], [sflag:$0x7] =	stream.linear.gather [hbm4b:s5+s3], $0x1400, $0x38;
	[tilespmem:$0x5380] =	vst v63  }
0x31: {  	_ =	swait.ge [sflag:s25], $0x1400  }
0x32: {  	[sflag:s25] =	ssyncset.done $0x0  }
0x33: {  	[sflag:s25] =	ssyncadd.s32 $0xFFFFEC00  }
0x34: {  	[spmem:s7] =	stream.linear.scatter [tilespmem:s11], [sflag:$0x7], $0x1400, $0x38;
	[tilespmem:$0x5380] =	vst v63  }
0x35: {  	_ =	swait.ge [sflag:s25], $0x1400  }
0x36: {  	[sflag:s25] =	ssyncset.done $0x0  }
0x37: {  	[sflag:s25] =	ssyncadd.s32 $0xFFFFEC00  }
0x38: {  	[bflag:$0x0] =	sbarrier.arrive $0xFFFF  }
0x39: {  	[spmem:s2] =	stream.indirect.scatter.add.f32 [tilespmem:s10], [sflag:$0x1], $0x8, s3, s12, $0xb8;
	[tilespmem:$0x5380] =	vst v63  }
0x3a: {  	_ = 	snop  }
0x3b: {  	[spmem:s2] =	stream.indirect.scatter.add.f32 [tilespmem:s10], [sflag:$0x2], $0x8, s12, s12, $0xb8;
	[tilespmem:$0x5380] =	vst v63  }
0x3c: {  	_ = 	snop  }
0x3d: {  	[spmem:s2] =	stream.indirect.scatter.add.f32 [tilespmem:s10], [sflag:$0x3], $0x8, s13, s12, $0xb8;
	[tilespmem:$0x5380] =	vst v63  }
0x3e: {  	_ = 	snop  }
0x3f: {  	[spmem:s2] =	stream.indirect.scatter.add.f32 [tilespmem:s10], [sflag:$0x4], $0x8, s14, s12, $0xb8;
	[tilespmem:$0x5380] =	vst v63  }
0x40: {  	_ = 	snop  }
0x41: {  	[spmem:s2] =	stream.indirect.scatter.add.f32 [tilespmem:s10], [sflag:$0x5], $0x8, s15, s12, $0xb8;
	[tilespmem:$0x5380] =	vst v63  }
0x42: {  	s28 =	simm.s32 $0x7;
	s29 =	simm.s32 $0x0  }
0x43: {  	[spmem:s2] =	stream.indirect.scatter.add.f32 [tilespmem:s10], [sflag:$0x6], $0x8, s16, s12, $0xb8;
	[tilespmem:$0x5380] =	vst v63  }
.LBB2_2:
0x44: {  	_ =	swait.ge [sflag:s17], $0x400  }
0x45: {  	s30 =	sshra.s32 s29, $0x2;
	[sflag:s17] =	ssyncset.done $0x0  }
0x46: {  	p0 =	sgt.u32 s28, $0x4E;
	s31 =	sadd.s32 $0x300, s30;
	[sflag:s17] =	ssyncadd.s32 $0xFFFFFC00  }
0x47: {  	[spmem:s2] =	stream.indirect.scatter.add.f32 [tilespmem:s10], [sflag:$0x1], $0x8, s31, s12, $0xb8;
	[tilespmem:$0x5380] =	vst v63  }
0x48: {  	s31 =	simm.s32 @!p0 $0x2  }
0x49: {  	_ =	swait.ge @!p0 [sflag:s31], $0x400  }
0x4a: {  	[sflag:s31] =	ssyncset.done @!p0 $0x0  }
0x4b: {  	[sflag:s31] =	ssyncadd.s32 @!p0 $0xFFFFFC00;
	s31 =	sshra.s32 @!p0 s29, $0x2  }
0x4c: {  	s1 =	simm.s32 @!p0 $0x80;
	s0 =	simm.s32 @!p0 $0x2780;
	s31 =	sadd.s32 @!p0 $0x380, s31  }
0x4d: {  	[spmem:s2] =	stream.indirect.scatter.add.f32 @!p0 [tilespmem:s0], [sflag:$0x2], $0x8, s31, s1, $0xb8;
	[tilespmem:$0x5380] =	vst v63  }
0x4e: {  	p0 =	seq.s32 s29, $0x9000  }
.Ltmp2:
0x4f: {  	_ = 	snop;
	(pc) =	sbr.rel @p0 .LBB2_4-.Ltmp2, $1  }
0x50: {  	_ =	sdelay $0x3  }
0x51: {  	_ =	swait.ge [sflag:s19], $0x400  }
0x52: {  	[sflag:s19] =	ssyncset.done $0x0  }
0x53: {  	s0 =	sadd.s32 $0x400, s30;
	[sflag:s19] =	ssyncadd.s32 $0xFFFFFC00  }
0x54: {  	[spmem:s2] =	stream.indirect.scatter.add.f32 [tilespmem:s10], [sflag:$0x3], $0x8, s0, s12, $0xb8;
	[tilespmem:$0x5380] =	vst v63  }
0x55: {  	_ =	swait.ge [sflag:s20], $0x400  }
0x56: {  	[sflag:s20] =	ssyncset.done $0x0  }
0x57: {  	s31 =	sadd.s32 $0x480, s30;
	[sflag:s20] =	ssyncadd.s32 $0xFFFFFC00  }
0x58: {  	[spmem:s2] =	stream.indirect.scatter.add.f32 [tilespmem:s10], [sflag:$0x4], $0x8, s31, s12, $0xb8;
	[tilespmem:$0x5380] =	vst v63  }
0x59: {  	_ =	swait.ge [sflag:s21], $0x400  }
0x5a: {  	[sflag:s21] =	ssyncset.done $0x0  }
0x5b: {  	s1 =	sadd.s32 $0x500, s30;
	[sflag:s21] =	ssyncadd.s32 $0xFFFFFC00  }
0x5c: {  	[spmem:s2] =	stream.indirect.scatter.add.f32 [tilespmem:s10], [sflag:$0x5], $0x8, s1, s12, $0xb8;
	[tilespmem:$0x5380] =	vst v63  }
.Ltmp3:
0x5d: {  	_ = 	snop;
	(pc) =	sbr.rel .LBB2_2-.Ltmp3, $4  }
0x5e: {  	_ =	swait.ge [sflag:s22], $0x400  }
0x5f: {  	s29 =	sadd.s32 $0xC00, s29;
	[sflag:s22] =	ssyncset.done $0x0  }
0x60: {  	s28 =	sadd.s32 $0x6, s28;
	s31 =	sadd.s32 $0x580, s30;
	[sflag:s22] =	ssyncadd.s32 $0xFFFFFC00  }
0x61: {  	[spmem:s2] =	stream.indirect.scatter.add.f32 [tilespmem:s10], [sflag:$0x6], $0x8, s31, s12, $0xb8;
	[tilespmem:$0x5380] =	vst v63  }
.LBB2_5:
0x62: {  	_ =	sfence.sel $0x180000  }
0x63: {  	[bflag:$0x0] =	sbarrier.arrive $0xFFFF  }
0x64: {  	_ =	strace $0x90000047  }
0x65: {  	s0 =	stileid.u32;
	[bflag:$0x2] =	sbarrier.arrive $0xFFFF  }
0x66: {  	p0 =	sne.s32 s0, $0x0;
	s0 =	rddreg [dreg:$0x2]  }
0x67: {  	s0 =	sadd.s32 @!p0 $0x100000, s0  }
0x68: {  	[sflag:s0] =	ssyncadd.tile.s32 @!p0 $0x1;
	_ =	shalt  }
.Lfunc_end2:
_tile_overlayer_lowered:
.L_overlay_start_2:
0x69: {  	(tag) =	ssettag $0x2  }
0x6a: {  	s0 =	rddreg [dreg:$0x0];
	s2 =	stileid.u32  }
0x6b: {  	s1 =	rddreg [dreg:$0x1];
	p0 =	sne.s32 s2, $0x0  }
0x6c: {  	s3 =	rddreg [dreg:$0x2];
	[bflag:$0x3] =	sbarrier.arrive $0xFFFF;
	s2 =	simm.s32 @!p0 $0x1C07  }
0x6d: {  	[timem:s3], [sflag:s2] =	dma.local @!p0 [hbm:s0], s1  }
0x6e: {  	s0 =	simm.s32 @!p0 $0x7  }
0x6f: {  	_ =	swait.ge @!p0 [sflag:s0], s1  }
0x70: {  	s1 =	ssub.s32 @!p0 $0x0, s1;
	[sflag:s0] =	ssyncset.done @!p0 $0x0  }
0x71: {  	[sflag:s0] =	ssyncadd.s32 @!p0 s1  }
0x72: {  	[bflag:$0x3] =	sbarrier.arrive $0xFFFF  }
0x73: {  	_ =	shalt  }

// kernel: kernel.9.cloned.1.call-start
scs
__scs_entry_jumppad:
0x0: {  	(pc) =	sbr.rel $0x88, $3  }
0x1: {  	(tag) =	ssettag $0x0;
	lr =	simm.s32 $0x1  }
0x2: {  	[smem:$0x3F9D] =	sst lr;
	_ =	strace $0xD0000000  }
0x3: {  	_ = 	snop  }
0x4: {  	_ = 	snop  }
0x5: {  	_ = 	snop  }
0x6: {  	_ = 	snop  }
0x7: {  	_ = 	snop  }
__scs_overlays_trampoline_lowered:
0x8: {  	[smem:$0x3FAC] =	sst s0  }
0x9: {  	[smem:$0x3FAD] =	sst s1  }
0xa: {  	[smem:$0x3FAE] =	sst s2  }
0xb: {  	[smem:$0x3FAF] =	sst s3  }
0xc: {  	[smem:$0x3FB0] =	sst s4  }
0xd: {  	[smem:$0x3FB1] =	sst s5  }
0xe: {  	[smem:$0x3FB2] =	sst s6  }
0xf: {  	[smem:$0x3FB3] =	sst s7  }
0x10: {  	[smem:$0x3FB4] =	sst s8  }
0x11: {  	[smem:$0x3FB5] =	sst s9;
	s0 =	simm.s32 @!p0 $0x0  }
0x12: {  	s1 =	sld [smem:$0x3F9B];
	s0 =	simm.s32 @p0 $0x1  }
0x13: {  	[smem:$0x3FB6] =	sst s0;
	s0 =	simm.s32 @!p1 $0x0  }
0x14: {  	s2 =	sld [smem:$0x3F9A];
	s0 =	simm.s32 @p1 $0x1  }
0x15: {  	[smem:$0x3FB7] =	sst s0;
	s0 =	simm.s32 @!p2 $0x0  }
0x16: {  	s3 =	sld [smem:$0x3FDB];
	s0 =	simm.s32 @p2 $0x1  }
0x17: {  	s4 =	simm.s32 $0x1BF5;
	[smem:$0x3FB9] =	sst s0  }
0x18: {  	s0 =	sld [smem:$0x3F9C];
	_ =	swait.ge [sflag:s4], $0x0  }
0x19: {  	s7 =	sld [smem:$0x3F9D]  }
0x1a: {  	s8 =	sadd.s32 $0xFFFFE003, lr  }
0x1b: {  	s9 =	sadd.s32 $0xFFFFFEF7, lr;
	s5 =	simm.s32 $0xFFFFFFFF;
	p2 =	slt.u32 s8, $0xFFFFF086  }
0x1c: {  	p1 =	slt.u32 s9, $0xF7A;
	s5 =	simm.s32 @!p2 $0x0  }
0x1d: {  	s5 =	simm.s32 @p1 $0x1;
	p0 =	seq.s32 s7, s2  }
0x1e: {  	s7 =	smul.u32 @!p0 $0xF7A, s2;
	p2 =	seq.s32 @!p0 s5, $0x0  }
0x1f: {  	s9 =	smul.u32 $0xF7A, s1;
	s8 =	simm.s32 @!p0 $0x1BF5;
	p2 =	por !p2, p0  }
0x20: {  	[sflag:s8] =	ssyncset.s32 @!p0 $0xFFFFF086;
	s6 =	sadd.s32 @!p0 s3, s7;
	s7 =	simm.s32 @!p0 $0x108  }
0x21: {  	s3 =	sadd.s32 s3, s9;
	s6 =	sadd.s32 @!p0 $0x88, s6;
	s7 =	simm.s32 @p2 $0x1082  }
0x22: {  	[simem:s7], [sflag:s8] =	dma.local @!p0 [hbm:s6], $0xF7A  }
0x23: {  	s9 =	sor.u32 $0xD0000000, s2;
	s6 =	simm.s32 $0x108;
	_ =	swait.ge @!p0 [sflag:s8], $0x0  }
0x24: {  	s3 =	sadd.s32 $0x88, s3;
	s6 =	simm.s32 @!p1 $0x1082;
	[sflag:s4] =	ssyncset.s32 $0xFFFFF086  }
0x25: {  	[simem:s6], [sflag:s4] =	dma.local [hbm:s3], $0xF7A  }
0x26: {  	[smem:$0x3F9D] =	sst s1;
	(tag) =	ssettag s2;
	_ =	strace s9  }
0x27: {  	s1 =	sld [smem:$0x3FAD]  }
0x28: {  	s2 =	sld [smem:$0x3FAE]  }
0x29: {  	s4 =	sld [smem:$0x3FB0]  }
0x2a: {  	p0 =	seq.s32 s5, $0x0;
	s5 =	sld [smem:$0x3FB1]  }
0x2b: {  	s6 =	sld [smem:$0x3FB2]  }
0x2c: {  	s7 =	sld [smem:$0x3FB3]  }
0x2d: {  	s3 =	simm.s32 $0x108;
	s8 =	sld [smem:$0x3FB4]  }
0x2e: {  	s3 =	simm.s32 @!p0 $0x1082;
	s9 =	sld [smem:$0x3FB5]  }
0x2f: {  	lr =	sadd.s32 s0, s3;
	s0 =	sld [smem:$0x3FAC]  }
0x30: {  	s3 =	sld [smem:$0x3FAF]  }
0x31: {  	[smem:$0x3FB8] =	sst s10  }
0x32: {  	s10 =	sld [smem:$0x3FB6];
	_ =	sdelay $0x3  }
0x33: {  	p0 =	seq.s32 s10, $0x1;
	s10 =	sld [smem:$0x3FB8];
	_ =	sdelay $0x3  }
0x34: {  	[smem:$0x3FB8] =	sst s10  }
0x35: {  	s10 =	sld [smem:$0x3FB7];
	_ =	sdelay $0x3  }
0x36: {  	p1 =	seq.s32 s10, $0x1;
	s10 =	sld [smem:$0x3FB8];
	_ =	sdelay $0x3  }
0x37: {  	[smem:$0x3FB8] =	sst s10  }
0x38: {  	s10 =	sld [smem:$0x3FB9]  }
0x39: {  	_ = 	snop;
	(pc) =	sbr.ind lr, $3  }
0x3a: {  	_ = 	snop  }
0x3b: {  	_ = 	snop  }
0x3c: {  	p2 =	seq.s32 s10, $0x1;
	s10 =	sld [smem:$0x3FB8]  }
0x3d: {  	_ =	shalt  }
0x3e: {  	_ =	shalt  }
0x3f: {  	_ =	shalt  }
0x40: {  	_ =	shalt  }
0x41: {  	_ =	shalt  }
0x42: {  	_ =	shalt  }
0x43: {  	_ =	shalt  }
0x44: {  	_ =	shalt  }
0x45: {  	_ =	shalt  }
0x46: {  	_ =	shalt  }
0x47: {  	_ =	shalt  }
0x48: {  	_ =	shalt  }
0x49: {  	_ =	shalt  }
0x4a: {  	_ =	shalt  }
0x4b: {  	_ =	shalt  }
0x4c: {  	_ =	shalt  }
0x4d: {  	_ =	shalt  }
0x4e: {  	_ =	shalt  }
0x4f: {  	_ =	shalt  }
0x50: {  	_ =	shalt  }
0x51: {  	_ =	shalt  }
0x52: {  	_ =	shalt  }
0x53: {  	_ =	shalt  }
0x54: {  	_ =	shalt  }
0x55: {  	_ =	shalt  }
0x56: {  	_ =	shalt  }
0x57: {  	_ =	shalt  }
0x58: {  	_ =	shalt  }
0x59: {  	_ =	shalt  }
0x5a: {  	_ =	shalt  }
0x5b: {  	_ =	shalt  }
0x5c: {  	_ =	shalt  }
0x5d: {  	_ =	shalt  }
0x5e: {  	_ =	shalt  }
0x5f: {  	_ =	shalt  }
0x60: {  	_ =	shalt  }
0x61: {  	_ =	shalt  }
0x62: {  	_ =	shalt  }
0x63: {  	_ =	shalt  }
0x64: {  	_ =	shalt  }
0x65: {  	_ =	shalt  }
0x66: {  	_ =	shalt  }
0x67: {  	_ =	shalt  }
0x68: {  	_ =	shalt  }
0x69: {  	_ =	shalt  }
0x6a: {  	_ =	shalt  }
0x6b: {  	_ =	shalt  }
0x6c: {  	_ =	shalt  }
0x6d: {  	_ =	shalt  }
0x6e: {  	_ =	shalt  }
0x6f: {  	_ =	shalt  }
0x70: {  	_ =	shalt  }
0x71: {  	_ =	shalt  }
0x72: {  	_ =	shalt  }
0x73: {  	_ =	shalt  }
0x74: {  	_ =	shalt  }
0x75: {  	_ =	shalt  }
0x76: {  	_ =	shalt  }
0x77: {  	_ =	shalt  }
0x78: {  	_ =	shalt  }
0x79: {  	_ =	shalt  }
0x7a: {  	_ =	shalt  }
0x7b: {  	_ =	shalt  }
0x7c: {  	_ =	shalt  }
0x7d: {  	_ =	shalt  }
0x7e: {  	_ =	shalt  }
0x7f: {  	_ =	shalt  }
0x80: {  	_ =	shalt  }
0x81: {  	_ =	shalt  }
0x82: {  	_ =	shalt  }
0x83: {  	_ =	shalt  }
0x84: {  	_ =	shalt  }
0x85: {  	_ =	shalt  }
0x86: {  	_ =	shalt  }
0x87: {  	_ =	shalt  }
.Lfunc_end0:
.L_simem_size_0:
called_computation.1_lowered:
.L_overlay_start_0:
0x88: {  	s2 =	sld [smem:$0x3FD9]  }
0x89: {  	s3 =	sld [smem:$0x3FFE];
	_ =	sdelay $0x1  }
0x8a: {  	s1 =	srdreg.scid  }
0x8b: {  	s0 =	sand.u32 $0x1, s1  }
0x8c: {  	s17 =	sshll.u32 s0, $0xA;
	s2 =	sadd.s32 s3, s2  }
0x8d: {  	s2 =	sadd.s32 s2, s17  }
0x8e: {  	[smem:$0x3FC4] =	sst s2  }
0x8f: {  	_ = 	snop  }
0x90: {  	s2 =	sld [smem:$0x3FD0];
	(tm) =	ssettm $0x1  }
0x91: {  	s18 =	sld [smem:$0x3FFB];
	_ =	sdelay $0x3  }
0x92: {  	_ =	strace s18  }
0x93: {  	s3 =	sld [smem:$0x3FFC];
	_ =	sdelay $0x3  }
0x94: {  	_ =	strace s3  }
0x95: {  	s3 =	sld [smem:$0x3FFD];
	_ =	sdelay $0x3  }
0x96: {  	_ =	strace s3  }
0x97: {  	_ =	strace $0x8FFFFFFF  }
0x98: {  	s19 =	sld [smem:$0x3FDB];
	_ =	sdelay $0x1  }
0x99: {  	s4 =	simm.s32 $_scs_section_size  }
0x9a: {  	s5 =	simm.s32 $_size__tile_overlayer_lowered;
	s6 =	simm.s32 $_tile_overlayer_lowered  }
0x9b: {  	s22 =	simm.s32 $0x1BFF;
	s21 =	sshll.u32 s6, $0x1;
	s3 =	sadd.s32 s4, s19  }
0x9c: {  	s7 =	simm.s32 $0x0;
	s20 =	sshll.u32 s5, $0x1;
	s5 =	sadd.s32 s21, s3  }
0x9d: {  	[timem:s7], [sflag:s22] =	dma.local [hbm:s5], s20  }
0x9e: {  	_ =	swait.ge [sflag:s22], s20  }
0x9f: {  	s4 =	ssub.s32 $0x0, s20;
	[sflag:s22] =	ssyncset.done $0x0  }
0xa0: {  	[sflag:s22] =	ssyncadd.s32 s4;
	_ =	sdelay $0x1  }
0xa1: {  	s23 =	simm.s32 $0x1B8B  }
0xa2: {  	_ =	swait.ge [sflag:s23], $0x1  }
0xa3: {  	[sflag:s23] =	ssyncset.done $0x0  }
0xa4: {  	s25 =	simm.s32 $0x1B8E;
	s24 =	sld [smem:$0x3FFE];
	[sflag:s23] =	ssyncadd.s32 $0xFFFFFFFF  }
0xa5: {  	s26 =	simm.s32 $execute0_lowered;
	[smem:$0x3FD2] =	sst s25  }
0xa6: {  	s5 =	sshll.u32 s26, $0x1;
	_ =	strace $0x80000049;
	[dreg:$0x1] =	wrdreg $0xFFFFFFFF  }
0xa7: {  	s28 =	simm.s32 $_size_execute0_lowered;
	s3 =	sadd.s32 s3, s5;
	[dreg:$0x0] =	wrdreg $0x0  }
0xa8: {  	s5 =	sshll.u32 s28, $0x1;
	[dreg:$0x2] =	wrdreg s3  }
0xa9: {  	[dreg:$0x3] =	wrdreg s5  }
0xaa: {  	[dreg:$0x4] =	wrdreg $0xC0  }
0xab: {  	_ =	task [dreg:s7], $0x5FFFF  }
0xac: {  	[dreg:$0x1] =	wrdreg $0xFFFFFFFF  }
0xad: {  	[dreg:$0x0] =	wrdreg $0x60  }
0xae: {  	[dreg:$0x2] =	wrdreg s24  }
0xaf: {  	[dreg:$0x3] =	wrdreg s2  }
0xb0: {  	[dreg:$0x4] =	wrdreg $0x11D000  }
0xb1: {  	[dreg:$0x5] =	wrdreg $0x9  }
0xb2: {  	_ =	task.clear_ibuf [dreg:s7], $0x6FFFF;
	_ =	strace $0x90000049  }
0xb3: {  	s29 =	simm.s32 $0x9;
	_ =	strace $0x8000004B  }
0xb4: {  	_ =	swait.ge [sflag:s29], $0x1  }
0xb5: {  	[sflag:s29] =	ssyncadd.s32 $0xFFFFFFFF  }
0xb6: {  	_ =	strace $0x9000004B  }
0xb7: {  	_ =	sfence  }
0xb8: {  	s30 =	sld [smem:$0x0];
	_ =	sdelay $0x2  }
0xb9: {  	s31 =	sshll.u32 s1, $0xD;
	s1 =	sshrl.u32 s1, $0x2  }
0xba: {  	s3 =	sand.u32 $0x4000, s31;
	s1 =	sadd.s32 s1, s30  }
0xbb: {  	s0 =	sor.u32 s3, s0;
	s1 =	sshll.u32 s1, $0x11  }
0xbc: {  	s0 =	sor.u32 s1, s0  }
0xbd: {  	s0 =	sadd.s32 $0x8F2B, s0  }
0xbe: {  	[sflag:s0] =	ssyncadd.remote.s32 $0x1  }
0xbf: {  	_ =	sfence.sel $0xFFFF  }
0xc0: {  	[dreg:$0x0] =	wrdreg $0xFFFFFFFF;
	(pc) =	sbr.abs _section_cstart, $3  }
0xc1: {  	[dreg:$0x1] =	wrdreg $0xFFFFFFFF  }
0xc2: {  	_ =	task.clear_ibuf [dreg:s7], $0x2FFFF;
	_ =	strace $0x9FFFFFFF  }
0xc3: {  	(tm) =	ssettm $0x7FFFFFFF  }
tec
execute0_lowered:
.L_overlay_start_1:
0x0: {  	(tag) =	ssettag $0x1  }
0x1: {  	s0 =	rddreg [dreg:$0x0]  }
0x2: {  	s1 =	srdreg.scid;
	s6 =	rddreg [dreg:$0x1]  }
0x3: {  	s3 =	stileid.u32;
	s2 =	rddreg [dreg:$0x2]  }
0x4: {  	s5 =	simm.s32 $0x0;
	s12 =	simm.s32 $0x80;
	s13 =	simm.s32 $0x9D00  }
0x5: {  	s15 =	simm.s32 $0xBD00;
	s17 =	simm.s32 $0xDD00;
	s19 =	simm.s32 $0xFD00  }
0x6: {  	s20 =	simm.s32 $0x2;
	s22 =	simm.s32 $0x5;
	s24 =	simm.s32 $0x3  }
0x7: {  	s26 =	simm.s32 $0x6;
	s29 =	simm.s32 $0x4;
	s31 =	simm.s32 $0x7  }
0x8: {  	s14 =	simm.s32 $0x8;
	s18 =	simm.s32 $0x0;
	s4 =	smul.u32 $0xA000, s3  }
0x9: {  	s1 =	sand.u32 $0x1, s1;
	[smem:$0x7FF] =	sst s5;
	s11 =	smul.u32 $0x13A0, s3  }
0xa: {  	s9 =	sadd.s32 $0x1000, s0;
	s7 =	smul.u32 $0xA0000, s1;
	s1 =	ssub.s32 $0x2, s1  }
0xb: {  	s30 =	sshll.u32 s3, $0x6;
	_ =	strace $0x8000004A;
	s8 =	sshrl.u32 s1, $0x1  }
0xc: {  	s10 =	sadd.s32 s4, s2;
	s6 =	sadd.s32 s6, s11;
	s11 =	simm.s32 $0x9  }
0xd: {  	s28 =	sadd.s32 s4, s7;
	s1 =	ssub.s32 s1, s8;
	s7 =	sshrl.u32 s7, $0x3  }
0xe: {  	s10 =	sshrl.u32 s10, $0x3;
	s5 =	sshrl.u32 s28, $0x3;
	s7 =	sadd.s32 s9, s7  }
0xf: {  	s0 =	sadd.s32 s5, s0;
	s4 =	sadd.s32 s9, s5;
	s5 =	sor.u32 $0x1C09, s30  }
0x10: {  	s9 =	smax.u32 s1, $0x1;
	s8 =	sadd.s32 $0x29000, s0;
	s0 =	simm.s32 $0x1  }
.LBB2_1:
0x11: {  	[spmem:s10], [sflag:s5] =	dma.local [hbm:s4], $0x1400  }
0x12: {  	_ =	swait.ge [sflag:s11], $0x1400  }
0x13: {  	[sflag:s11] =	ssyncset.done $0x0  }
0x14: {  	s1 =	simm.s32 $0x0;
	[sflag:s11] =	ssyncadd.s32 $0xFFFFEC00  }
0x15: {  	[tilespmem:s1], [sflag:$0x9] =	stream.linear.gather [hbm4b:s6+s1], $0x9D00, $0x38;
	[tilespmem:$0x1BD00] =	vst v63  }
0x16: {  	_ =	swait.ge [sflag:s11], $0x9D00  }
0x17: {  	[sflag:s11] =	ssyncset.done $0x0  }
0x18: {  	[sflag:s11] =	ssyncadd.s32 $0xFFFF6300  }
0x19: {  	[bflag:$0x0] =	sbarrier.arrive $0xFFFF  }
0x1a: {  	[tilespmem:s13], [sflag:$0x1] =	stream.indirect.gather [hbm4b:s7+s12], $0x40, s1, s12, $0xb8;
	[tilespmem:$0x1BD00] =	vst v63  }
0x1b: {  	s23 =	simm.s32 $0x100  }
0x1c: {  	[tilespmem:s15], [sflag:$0x2] =	stream.indirect.gather [hbm4b:s7+s12], $0x40, s23, s12, $0xb8;
	[tilespmem:$0x1BD00] =	vst v63  }
0x1d: {  	s25 =	simm.s32 $0x200  }
0x1e: {  	[tilespmem:s17], [sflag:$0x3] =	stream.indirect.gather [hbm4b:s7+s12], $0x40, s25, s12, $0xb8;
	[tilespmem:$0x1BD00] =	vst v63  }
0x1f: {  	_ =	swait.ge [sflag:s0], $0x2000  }
0x20: {  	[sflag:s0] =	ssyncset.done $0x0  }
0x21: {  	[sflag:s0] =	ssyncadd.s32 $0xFFFFE000  }
0x22: {  	[spmem:s2] =	stream.indirect.scatter.add.f32 [tilespmem:s13], [sflag:$0x5], $0x40, s12, s12, $0xb8;
	[tilespmem:$0x1BD00] =	vst v63  }
0x23: {  	s3 =	simm.s32 $0x300  }
0x24: {  	[tilespmem:s19], [sflag:$0x4] =	stream.indirect.gather [hbm4b:s7+s12], $0x40, s3, s12, $0xb8;
	[tilespmem:$0x1BD00] =	vst v63  }
0x25: {  	_ =	swait.ge [sflag:s20], $0x2000  }
0x26: {  	[sflag:s20] =	ssyncset.done $0x0  }
0x27: {  	s16 =	simm.s32 $0x180;
	[sflag:s20] =	ssyncadd.s32 $0xFFFFE000  }
0x28: {  	[spmem:s2] =	stream.indirect.scatter.add.f32 [tilespmem:s15], [sflag:$0x6], $0x40, s16, s12, $0xb8;
	[tilespmem:$0x1BD00] =	vst v63  }
0x29: {  	_ =	swait.ge [sflag:s22], $0x2000  }
0x2a: {  	[sflag:s22] =	ssyncset.done $0x0  }
0x2b: {  	s21 =	simm.s32 $0x400;
	[sflag:s22] =	ssyncadd.s32 $0xFFFFE000  }
0x2c: {  	[tilespmem:s13], [sflag:$0x1] =	stream.indirect.gather [hbm4b:s7+s12], $0x40, s21, s12, $0xb8;
	[tilespmem:$0x1BD00] =	vst v63  }
0x2d: {  	_ =	swait.ge [sflag:s24], $0x2000  }
0x2e: {  	[sflag:s24] =	ssyncset.done $0x0  }
0x2f: {  	s23 =	simm.s32 $0x280;
	[sflag:s24] =	ssyncadd.s32 $0xFFFFE000  }
0x30: {  	[spmem:s2] =	stream.indirect.scatter.add.f32 [tilespmem:s17], [sflag:$0x7], $0x40, s23, s12, $0xb8;
	[tilespmem:$0x1BD00] =	vst v63  }
0x31: {  	_ =	swait.ge [sflag:s26], $0x2000  }
0x32: {  	[sflag:s26] =	ssyncset.done $0x0  }
0x33: {  	s25 =	simm.s32 $0x500;
	[sflag:s26] =	ssyncadd.s32 $0xFFFFE000  }
0x34: {  	[tilespmem:s15], [sflag:$0x2] =	stream.indirect.gather [hbm4b:s7+s12], $0x40, s25, s12, $0xb8;
	[tilespmem:$0x1BD00] =	vst v63  }
0x35: {  	_ =	swait.ge [sflag:s29], $0x2000  }
0x36: {  	[sflag:s29] =	ssyncset.done $0x0  }
0x37: {  	s3 =	simm.s32 $0x380;
	[sflag:s29] =	ssyncadd.s32 $0xFFFFE000  }
0x38: {  	[spmem:s2] =	stream.indirect.scatter.add.f32 [tilespmem:s19], [sflag:$0x8], $0x40, s3, s12, $0xb8;
	[tilespmem:$0x1BD00] =	vst v63  }
0x39: {  	_ =	swait.ge [sflag:s31], $0x2000  }
0x3a: {  	[sflag:s31] =	ssyncset.done $0x0  }
0x3b: {  	s16 =	simm.s32 $0x600;
	[sflag:s31] =	ssyncadd.s32 $0xFFFFE000  }
0x3c: {  	[tilespmem:s17], [sflag:$0x3] =	stream.indirect.gather [hbm4b:s7+s12], $0x40, s16, s12, $0xb8;
	[tilespmem:$0x1BD00] =	vst v63  }
0x3d: {  	_ =	swait.ge [sflag:s0], $0x2000  }
0x3e: {  	[sflag:s0] =	ssyncset.done $0x0  }
0x3f: {  	s21 =	simm.s32 $0x480;
	[sflag:s0] =	ssyncadd.s32 $0xFFFFE000  }
0x40: {  	[spmem:s2] =	stream.indirect.scatter.add.f32 [tilespmem:s13], [sflag:$0x5], $0x40, s21, s12, $0xb8;
	[tilespmem:$0x1BD00] =	vst v63  }
0x41: {  	_ =	swait.ge [sflag:s14], $0x2000  }
0x42: {  	[sflag:s14] =	ssyncset.done $0x0  }
0x43: {  	s23 =	simm.s32 $0x700;
	[sflag:s14] =	ssyncadd.s32 $0xFFFFE000  }
0x44: {  	[tilespmem:s19], [sflag:$0x4] =	stream.indirect.gather [hbm4b:s7+s12], $0x40, s23, s12, $0xb8;
	[tilespmem:$0x1BD00] =	vst v63  }
0x45: {  	_ =	swait.ge [sflag:s20], $0x2000  }
0x46: {  	[sflag:s20] =	ssyncset.done $0x0  }
0x47: {  	s25 =	simm.s32 $0x580;
	[sflag:s20] =	ssyncadd.s32 $0xFFFFE000  }
0x48: {  	[spmem:s2] =	stream.indirect.scatter.add.f32 [tilespmem:s15], [sflag:$0x6], $0x40, s25, s12, $0xb8;
	[tilespmem:$0x1BD00] =	vst v63  }
0x49: {  	_ =	swait.ge [sflag:s22], $0x2000  }
0x4a: {  	[sflag:s22] =	ssyncset.done $0x0  }
0x4b: {  	s3 =	simm.s32 $0x800;
	[sflag:s22] =	ssyncadd.s32 $0xFFFFE000  }
0x4c: {  	[tilespmem:s13], [sflag:$0x1] =	stream.indirect.gather [hbm4b:s7+s12], $0x40, s3, s12, $0xb8;
	[tilespmem:$0x1BD00] =	vst v63  }
0x4d: {  	_ =	swait.ge [sflag:s24], $0x2000  }
0x4e: {  	p1 =	por $0x0, $0x0;
	[sflag:s24] =	ssyncset.done $0x0  }
0x4f: {  	s16 =	simm.s32 $0x680;
	s21 =	simm.s32 @!p1 $0x6;
	[sflag:s24] =	ssyncadd.s32 $0xFFFFE000  }
0x50: {  	[spmem:s2] =	stream.indirect.scatter.add.f32 [tilespmem:s17], [sflag:$0x7], $0x40, s16, s12, $0xb8;
	[tilespmem:$0x1BD00] =	vst v63  }
0x51: {  	_ =	swait.ge @!p1 [sflag:s21], $0x2000  }
0x52: {  	s28 =	simm.s32 @!p1 $0x80;
	[sflag:s21] =	ssyncset.done @!p1 $0x0  }
0x53: {  	s1 =	simm.s32 @!p1 $0x900;
	s23 =	simm.s32 @!p1 $0xBD00;
	[sflag:s21] =	ssyncadd.s32 @!p1 $0xFFFFE000  }
0x54: {  	[tilespmem:s23], [sflag:$0x2] =	stream.indirect.gather @!p1 [hbm4b:s7+s28], $0x40, s1, s28, $0xb8;
	[tilespmem:$0x1BD00] =	vst v63  }
0x55: {  	_ =	swait.ge [sflag:s29], $0x2000  }
0x56: {  	[sflag:s29] =	ssyncset.done $0x0  }
0x57: {  	s25 =	simm.s32 @!p1 $0x7;
	s23 =	simm.s32 $0x780;
	[sflag:s29] =	ssyncadd.s32 $0xFFFFE000  }
0x58: {  	[spmem:s2] =	stream.indirect.scatter.add.f32 [tilespmem:s19], [sflag:$0x8], $0x40, s23, s12, $0xb8;
	[tilespmem:$0x1BD00] =	vst v63  }
0x59: {  	s30 =	simm.s32 @!p1 $0xA00;
	s21 =	simm.s32 $0x1000;
	_ =	swait.ge @!p1 [sflag:s25], $0x2000  }
0x5a: {  	s1 =	simm.s32 @!p1 $0xDD00;
	s23 =	simm.s32 $0x1;
	[sflag:s25] =	ssyncset.done @!p1 $0x0  }
.LBB2_2:
0x5b: {  	[sflag:s25] =	ssyncadd.s32 @!p1 $0xFFFFE000  }
0x5c: {  	s23 =	sadd.s32 $0x1, s23;
	s16 =	smov.u32 s21;
	s21 =	sadd.s32 $0x1000, s21  }
0x5d: {  	[tilespmem:s1], [sflag:$0x3] =	stream.indirect.gather @!p1 [hbm4b:s7+s28], $0x40, s30, s28, $0xb8;
	[tilespmem:$0x1BD00] =	vst v63  }
0x5e: {  	s25 =	sshra.s32 s16, $0x2;
	p0 =	sne.s32 s21, $0x26000;
	_ =	swait.ge [sflag:s0], $0x2000  }
0x5f: {  	s1 =	sadd.s32 $0x480, s25;
	[sflag:s0] =	ssyncset.done $0x0  }
0x60: {  	[sflag:s0] =	ssyncadd.s32 $0xFFFFE000  }
0x61: {  	[spmem:s2] =	stream.indirect.scatter.add.f32 [tilespmem:s13], [sflag:$0x5], $0x40, s1, s12, $0xb8;
	[tilespmem:$0x1BD00] =	vst v63  }
0x62: {  	_ =	swait.ge [sflag:s14], $0x2000  }
0x63: {  	s1 =	sadd.s32 $0x700, s25;
	[sflag:s14] =	ssyncset.done $0x0  }
0x64: {  	[sflag:s14] =	ssyncadd.s32 $0xFFFFE000  }
0x65: {  	[tilespmem:s19], [sflag:$0x4] =	stream.indirect.gather [hbm4b:s7+s12], $0x40, s1, s12, $0xb8;
	[tilespmem:$0x1BD00] =	vst v63  }
0x66: {  	_ =	swait.ge [sflag:s20], $0x2000  }
0x67: {  	s1 =	sadd.s32 $0x580, s25;
	[sflag:s20] =	ssyncset.done $0x0  }
0x68: {  	[sflag:s20] =	ssyncadd.s32 $0xFFFFE000  }
0x69: {  	[spmem:s2] =	stream.indirect.scatter.add.f32 [tilespmem:s15], [sflag:$0x6], $0x40, s1, s12, $0xb8;
	[tilespmem:$0x1BD00] =	vst v63  }
0x6a: {  	_ =	swait.ge [sflag:s22], $0x2000  }
0x6b: {  	s1 =	sadd.s32 $0x800, s25;
	[sflag:s22] =	ssyncset.done $0x0  }
0x6c: {  	[sflag:s22] =	ssyncadd.s32 $0xFFFFE000  }
0x6d: {  	[tilespmem:s13], [sflag:$0x1] =	stream.indirect.gather [hbm4b:s7+s12], $0x40, s1, s12, $0xb8;
	[tilespmem:$0x1BD00] =	vst v63  }
0x6e: {  	_ =	swait.ge [sflag:s24], $0x2000  }
0x6f: {  	p1 =	sgt.u32 s23, $0x25;
	s1 =	sadd.s32 $0x680, s25;
	[sflag:s24] =	ssyncset.done $0x0  }
0x70: {  	s3 =	simm.s32 @!p1 $0x6;
	s16 =	sshra.s32 @!p1 s16, $0x2;
	[sflag:s24] =	ssyncadd.s32 $0xFFFFE000  }
0x71: {  	[spmem:s2] =	stream.indirect.scatter.add.f32 [tilespmem:s17], [sflag:$0x7], $0x40, s1, s12, $0xb8;
	[tilespmem:$0x1BD00] =	vst v63  }
0x72: {  	s30 =	sadd.s32 @!p1 $0xA00, s16;
	s1 =	sadd.s32 @!p1 $0x900, s16;
	_ =	swait.ge @!p1 [sflag:s3], $0x2000  }
0x73: {  	s28 =	simm.s32 @!p1 $0x80;
	s16 =	simm.s32 @!p1 $0xBD00;
	[sflag:s3] =	ssyncset.done @!p1 $0x0  }
0x74: {  	[sflag:s3] =	ssyncadd.s32 @!p1 $0xFFFFE000  }
0x75: {  	[tilespmem:s16], [sflag:$0x2] =	stream.indirect.gather @!p1 [hbm4b:s7+s28], $0x40, s1, s28, $0xb8;
	[tilespmem:$0x1BD00] =	vst v63  }
0x76: {  	_ =	swait.ge [sflag:s29], $0x2000  }
.Ltmp0:
0x77: {  	s1 =	sadd.s32 $0x780, s25;
	[sflag:s29] =	ssyncset.done $0x0;
	(pc) =	sbr.rel @p0 .LBB2_2-.Ltmp0, $4  }
0x78: {  	s25 =	simm.s32 @!p1 $0x7;
	[sflag:s29] =	ssyncadd.s32 $0xFFFFE000  }
0x79: {  	[spmem:s2] =	stream.indirect.scatter.add.f32 [tilespmem:s19], [sflag:$0x8], $0x40, s1, s12, $0xb8;
	[tilespmem:$0x1BD00] =	vst v63  }
0x7a: {  	_ =	swait.ge @!p1 [sflag:s25], $0x2000  }
0x7b: {  	s1 =	simm.s32 @!p1 $0xDD00;
	[sflag:s25] =	ssyncset.done @!p1 $0x0  }
0x7c: {  	[sflag:s25] =	ssyncadd.s32 @!p1 $0xFFFFE000  }
0x7d: {  	[tilespmem:s1], [sflag:$0x3] =	stream.indirect.gather @!p1 [hbm4b:s7+s28], $0x40, s30, s28, $0xb8;
	[tilespmem:$0x1BD00] =	vst v63  }
0x7e: {  	_ =	swait.ge [sflag:s0], $0x2000  }
0x7f: {  	[sflag:s0] =	ssyncset.done $0x0  }
0x80: {  	s30 =	simm.s32 $0x9C80;
	[sflag:s0] =	ssyncadd.s32 $0xFFFFE000  }
0x81: {  	[spmem:s2] =	stream.indirect.scatter.add.f32 [tilespmem:s13], [sflag:$0x5], $0x40, s30, s12, $0xb8;
	[tilespmem:$0x1BD00] =	vst v63  }
0x82: {  	_ =	swait.ge [sflag:s26], $0x2000  }
0x83: {  	[sflag:s26] =	ssyncset.done $0x0  }
0x84: {  	[sflag:s26] =	ssyncadd.s32 $0xFFFFE000  }
0x85: {  	_ =	swait.ge [sflag:s31], $0x2000  }
0x86: {  	[sflag:s31] =	ssyncset.done $0x0  }
0x87: {  	[sflag:s31] =	ssyncadd.s32 $0xFFFFE000  }
0x88: {  	_ =	swait.ge [sflag:s14], $0x2000  }
0x89: {  	[sflag:s14] =	ssyncset.done $0x0  }
0x8a: {  	[sflag:s14] =	ssyncadd.s32 $0xFFFFE000  }
0x8b: {  	_ =	swait.ge [sflag:s22], $0x2000  }
0x8c: {  	s18 =	sadd.s32 $0x1, s18;
	[sflag:s22] =	ssyncset.done $0x0  }
0x8d: {  	p0 =	sne.s32 s18, s9;
	[sflag:s22] =	ssyncadd.s32 $0xFFFFE000  }
.Ltmp1:
0x8e: {  	[bflag:$0x0] =	sbarrier.arrive $0xFFFF;
	(pc) =	sbr.rel @p0 .LBB2_1-.Ltmp1, $4  }
0x8f: {  	[hbm:s8], [sflag:s5] =	dma.local [spmem:s10], $0x1400  }
0x90: {  	_ =	swait.ge [sflag:s11], $0x1400  }
0x91: {  	[sflag:s11] =	ssyncset.done $0x0  }
0x92: {  	[sflag:s11] =	ssyncadd.s32 $0xFFFFEC00  }
0x93: {  	_ =	sfence.sel $0x180000  }
0x94: {  	[bflag:$0x0] =	sbarrier.arrive $0xFFFF  }
0x95: {  	_ =	strace $0x9000004A  }
0x96: {  	s0 =	stileid.u32;
	[bflag:$0x2] =	sbarrier.arrive $0xFFFF  }
0x97: {  	p0 =	sne.s32 s0, $0x0;
	s0 =	rddreg [dreg:$0x3]  }
0x98: {  	s0 =	sadd.s32 @!p0 $0x100000, s0  }
0x99: {  	[sflag:s0] =	ssyncadd.tile.s32 @!p0 $0x1;
	_ =	shalt  }
.Lfunc_end2:
_tile_overlayer_lowered:
.L_overlay_start_2:
0x9a: {  	(tag) =	ssettag $0x2  }
0x9b: {  	s0 =	rddreg [dreg:$0x0];
	s2 =	stileid.u32  }
0x9c: {  	s1 =	rddreg [dreg:$0x1];
	p0 =	sne.s32 s2, $0x0  }
0x9d: {  	s3 =	rddreg [dreg:$0x2];
	[bflag:$0x3] =	sbarrier.arrive $0xFFFF;
	s2 =	simm.s32 @!p0 $0x1C09  }
0x9e: {  	[timem:s3], [sflag:s2] =	dma.local @!p0 [hbm:s0], s1  }
0x9f: {  	s0 =	simm.s32 @!p0 $0x9  }
0xa0: {  	_ =	swait.ge @!p0 [sflag:s0], s1  }
0xa1: {  	s1 =	ssub.s32 @!p0 $0x0, s1;
	[sflag:s0] =	ssyncset.done @!p0 $0x0  }
0xa2: {  	[sflag:s0] =	ssyncadd.s32 @!p0 s1  }
0xa3: {  	[bflag:$0x3] =	sbarrier.arrive $0xFFFF  }
0xa4: {  	_ =	shalt  }

</sc_bundles>
